<compile_context>
chip_gen: v7x
topology: tpu7x:2x2x1
jax: 0.10.2.dev20260603
libtpu: 0.0.44.dev20260713+nightly
codegen_flags: <defaults>
</compile_context>

<pallas_src>
import dataclasses
import functools

import jax
import jax.numpy as jnp
from jax import lax
from jax.experimental import pallas as pl
from jax.experimental.pallas import tpu as pltpu
from jax.experimental.pallas import tpu_sc as plsc

N = 10000
D = 128
H = 128
NC = 2
NS = 16
NW = NC * NS
CHUNK = 128
CPW = 79
PER_W = CPW * CHUNK
E_PAD = NW * PER_W
NP = 10112
RPS = NP // NS
PAD_DST = 10008


def _make_sc_segsum(with_cnt: bool):
    mesh = plsc.VectorSubcoreMesh(core_axis_name="c", subcore_axis_name="s")
    agg_t = jax.ShapeDtypeStruct((NC, NP, H), jnp.float32)
    out_type = [agg_t] if with_cnt else agg_t
    scratch = [
        pltpu.VMEM((CHUNK,), jnp.int32),
        pltpu.VMEM((CHUNK,), jnp.int32),
        pltpu.VMEM((CHUNK, H), jnp.float32),
        pltpu.VMEM_SHARED((NP, H), jnp.float32),
        pltpu.SemaphoreType.DMA,
    ]
    if with_cnt:
        out_type.append(jax.ShapeDtypeStruct((NW * NP,), jnp.float32))
        scratch.append(pltpu.VMEM((NP,), jnp.float32))

    cp = pltpu.CompilerParams()
    if with_cnt and (
            "needs_layout_passes" in pltpu.CompilerParams.__dataclass_fields__):
        cp = dataclasses.replace(cp, needs_layout_passes=False)

    @functools.partial(pl.kernel, out_type=out_type, mesh=mesh,
                       scratch_types=scratch, compiler_params=cp)
    def segsum(feat_hbm, src_hbm, dst_hbm, z_h, *rest):
        if with_cnt:
            (agg_out, cnt_out, src_v, dst_v, rows_v, agg_sh, sem,
             cnt_v) = rest
        else:
            agg_out, src_v, dst_v, rows_v, agg_sh, sem = rest
        cid = lax.axis_index("c")
        sid = lax.axis_index("s")
        wid = cid * NS + sid
        sl = pl.ds(sid * RPS, RPS)

        pltpu.sync_copy(z_h, agg_sh.at[sl])
        if with_cnt:
            zero16 = jnp.zeros((16,), jnp.float32)

            @pl.loop(0, NP // 16)
            def _(i):
                cnt_v[pl.ds(i * 16, 16)] = zero16

        plsc.subcore_barrier()

        ones16 = jnp.ones((16,), jnp.float32)
        base_w = wid * PER_W

        @pl.loop(0, CPW)
        def _(c):
            base = base_w + c * CHUNK
            pltpu.sync_copy(src_hbm.at[pl.ds(base, CHUNK)], src_v)
            pltpu.sync_copy(dst_hbm.at[pl.ds(base, CHUNK)], dst_v)
            pltpu.async_copy(feat_hbm.at[src_v], rows_v, sem).wait()
            pltpu.sync_copy(rows_v, agg_sh.at[dst_v], add=True)
            if with_cnt:
                for j in range(CHUNK // 16):
                    idx16 = dst_v[pl.ds(j * 16, 16)]
                    plsc.addupdate_scatter(cnt_v, [idx16], ones16)

        plsc.subcore_barrier()

        pltpu.sync_copy(agg_sh.at[sl], agg_out.at[cid].at[sl])
        if with_cnt:
            pltpu.sync_copy(cnt_v, cnt_out.at[pl.ds(wid * NP, NP)])

    return segsum


_sc_segsum_cnt = _make_sc_segsum(True)
_sc_segsum = _make_sc_segsum(False)


def _tc_lin(x, w, b):
    def body(x_ref, w_ref, b_ref, o_ref):
        o_ref[...] = jnp.dot(
            x_ref[...], w_ref[...],
            preferred_element_type=jnp.float32,
            precision=lax.Precision.HIGHEST) + b_ref[...]

    return pl.pallas_call(
        body,
        out_shape=jax.ShapeDtypeStruct((x.shape[0], w.shape[1]), jnp.float32),
    )(x, w, b.reshape(1, -1))


def _tc_combine(agg, cnt, wl, other, relu):
    def body(a_ref, c_ref, w_ref, o_ref, out_ref):
        a = a_ref[0, :N, :] + a_ref[1, :N, :]
        c = jnp.sum(c_ref[...], axis=0)[:N]
        mean = a / jnp.clip(c, 1.0)[:, None]
        r = jnp.dot(mean, w_ref[...],
                    preferred_element_type=jnp.float32,
                    precision=lax.Precision.HIGHEST) + o_ref[...]
        out_ref[...] = jnp.maximum(r, 0.0) if relu else r

    return pl.pallas_call(
        body,
        out_shape=jax.ShapeDtypeStruct((N, wl.shape[1]), jnp.float32),
    )(agg, cnt, wl, other)


def kernel(x, edge_index, W1l, W1r, b1, W2l, W2r, b2, Wo, bo):
    src = edge_index[0]
    dst = edge_index[1]
    pad = E_PAD - src.shape[0]
    srcp = jnp.concatenate([src, jnp.zeros((pad,), jnp.int32)])
    dstp = jnp.concatenate([dst, jnp.full((pad,), PAD_DST, jnp.int32)])
    z_h = jnp.zeros((RPS, H), jnp.float32)

    agg1, cntp = _sc_segsum_cnt(x, srcp, dstp, z_h)
    cnt = cntp.reshape(NW, NP)
    xr = _tc_lin(x, W1r, b1)
    h = _tc_combine(agg1, cnt, W1l, xr, relu=True)

    agg2 = _sc_segsum(h, srcp, dstp, z_h)
    hr = _tc_lin(h, W2r, b2)
    h2 = _tc_combine(agg2, cnt, W2l, hr, relu=True)

    return _tc_lin(h2, Wo, bo)

# --- scband reference (transcript-rebuilt; emitter-appended) ---
"""Pipeline reference for scband-flow-graph-sage-30339648979088 (READ-ONLY COPY).

The authoritative reference and input builder live on the scoring server;
editing this copy changes nothing except your own understanding.
"""

import jax, jax.numpy as jnp
import numpy as np

N = 10000
E = 320000
D = 128
H = 128
C = 2


def setup_inputs(seed: int = 0):
    key = jax.random.key(seed)
    ks = jax.random.split(key, 12)
    x = jax.random.normal(ks[0], (N, D), dtype=jnp.float32)
    edge_index = jax.random.randint(ks[1], (2, E), 0, N, dtype=jnp.int32)
    s1 = 1.0 / np.sqrt(D)
    s2 = 1.0 / np.sqrt(H)
    W1l = jax.random.uniform(ks[2], (D, H), jnp.float32, -s1, s1)
    W1r = jax.random.uniform(ks[3], (D, H), jnp.float32, -s1, s1)
    b1 = jax.random.uniform(ks[4], (H,), jnp.float32, -s1, s1)
    W2l = jax.random.uniform(ks[5], (H, H), jnp.float32, -s2, s2)
    W2r = jax.random.uniform(ks[6], (H, H), jnp.float32, -s2, s2)
    b2 = jax.random.uniform(ks[7], (H,), jnp.float32, -s2, s2)
    Wo = jax.random.uniform(ks[8], (H, C), jnp.float32, -s2, s2)
    bo = jax.random.uniform(ks[9], (C,), jnp.float32, -s2, s2)
    return {"x": x, "edge_index": edge_index, "W1l": W1l, "W1r": W1r, "b1": b1, "W2l": W2l, "W2r": W2r, "b2": b2, "Wo": Wo, "bo": bo}


def _sage_conv(x, src, dst, Wl, Wr, b):
    # PyG SAGEConv with mean aggregation:
    # out_i = lin_l(mean_{j in N(i)} x_j) + lin_r(x_i)
    msgs = jnp.take(x, src, axis=0)
    agg = jax.ops.segment_sum(msgs, dst, num_segments=N)
    cnt = jax.ops.segment_sum(jnp.ones((src.shape[0],), dtype=x.dtype), dst, num_segments=N)
    mean = agg / jnp.clip(cnt, 1.0)[:, None]
    return mean @ Wl + x @ Wr + b


def reference(x, edge_index, W1l, W1r, b1, W2l, W2r, b2, Wo, bo):
    src = edge_index[0]
    dst = edge_index[1]
    h = jax.nn.relu(_sage_conv(x, src, dst, W1l, W1r, b1))
    # dropout is identity in eval mode
    h = jax.nn.relu(_sage_conv(h, src, dst, W2l, W2r, b2))
    return h @ Wo + bo

if __name__ == "__main__":
    import jax
    _d = setup_inputs()
    print(jax.jit(kernel)(*tuple(_d.values())))

</pallas_src>

<mosaic_0001>
#map = affine_map<(d0, d1) -> (0, 0)>
#map1 = affine_map<(d0, d1) -> (0)>
#map2 = affine_map<(d0, d1) -> (0, 0, 0)>
module attributes {stable_mosaic.version = 14 : i64} {
  func.func @segsum(%arg0: i32, %arg1: i32, %arg2: memref<10000x128xf32, #tpu.memory_space<hbm>>, %arg3: memref<323584xi32, #tpu.memory_space<hbm>>, %arg4: memref<323584xi32, #tpu.memory_space<hbm>>, %arg5: memref<632x128xf32, #tpu.memory_space<hbm>>, %arg6: memref<2x10112x128xf32, #tpu.memory_space<hbm>>, %arg7: memref<128xi32, #tpu.memory_space<vmem>>, %arg8: memref<128xi32, #tpu.memory_space<vmem>>, %arg9: memref<128x128xf32, #tpu.memory_space<vmem>>, %arg10: memref<10112x128xf32, #tpu.memory_space<vmem_shared>>, %arg11: memref<!tpu.dma_semaphore, #tpu.memory_space<semaphore_mem>>) attributes {dimension_semantics = [#tpu.dimension_semantics<core_parallel>, #tpu.dimension_semantics<subcore_parallel>], iteration_bounds = array<i64: 2, 16>, scalar_prefetch = 0 : i64, scratch_operands = 5 : i64, tpu.core_type = #tpu.core_type<sc_vector_subcore>, window_params = [{transform_indices = #map}, {transform_indices = #map1}, {transform_indices = #map1}, {transform_indices = #map}, {transform_indices = #map2}]} {
    %mul3A = arith.constant 16 : i32
    %mul3A_0 = arith.muli %arg0, %mul3A : i32
    %add3A = arith.addi %mul3A_0, %arg1 : i32
    %mul3A_1 = arith.constant 632 : i32
    %mul3A_2 = arith.muli %arg1, %mul3A_1 : i32
    "tpu.region"() ({
      %run_scoped3A = tpu.sem_alloc : memref<!tpu.dma_semaphore, #tpu.memory_space<semaphore_mem>>
      %dma_start3A = arith.constant 0 : i32
      %dma_start3A_11 = tpu.memref_slice %arg10[%mul3A_2, %dma_start3A] : memref<10112x128xf32, #tpu.memory_space<vmem_shared>> -> memref<632x128xf32, #tpu.memory_space<vmem_shared>>
      tpu.enqueue_dma source(%arg5 : memref<632x128xf32, #tpu.memory_space<hbm>>) target(%dma_start3A_11 : memref<632x128xf32, #tpu.memory_space<vmem_shared>>) target_semaphore(%run_scoped3A : memref<!tpu.dma_semaphore, #tpu.memory_space<semaphore_mem>>)
      %dma_wait3A = arith.constant 0 : i32
      %dma_wait3A_12 = tpu.memref_slice %arg10[%mul3A_2, %dma_wait3A] : memref<10112x128xf32, #tpu.memory_space<vmem_shared>> -> memref<632x128xf32, #tpu.memory_space<vmem_shared>>
      tpu.wait_dma2 semaphore(%run_scoped3A : memref<!tpu.dma_semaphore, #tpu.memory_space<semaphore_mem>>) src(%arg5 : memref<632x128xf32, #tpu.memory_space<hbm>>) dst(%dma_wait3A_12 : memref<632x128xf32, #tpu.memory_space<vmem_shared>>)
      tpu.yield
    }) : () -> ()
    %barrier3A = arith.constant 0 : index
    tpu.barrier barrier_id(%barrier3A)
    %broadcast_in_dim3A = arith.constant 1.000000e+00 : f32
    %broadcast_in_dim3A_3 = vector.broadcast %broadcast_in_dim3A : f32 to vector<16xf32>
    %mul3A_4 = arith.constant 10112 : i32
    %mul3A_5 = arith.muli %add3A, %mul3A_4 : i32
    %scan3A = arith.constant 0 : i32
    %scan3A_6 = arith.constant 79 : i32
    %scan3A_7 = arith.addi %scan3A, %scan3A_6 : i32
    %scan3A_8 = arith.constant 1 : i32
    scf.for %scan3A_11 = %scan3A to %scan3A_7 step %scan3A_8  : i32 {
      %mul3A_12 = arith.constant 1 : i32
      %mul3A_13 = arith.muli %scan3A_11, %mul3A_12 : i32
      %add3A_14 = arith.constant 0 : i32
      %add3A_15 = arith.addi %add3A_14, %mul3A_13 : i32
      %mul3A_16 = arith.constant 128 : i32
      %mul3A_17 = arith.muli %add3A_15, %mul3A_16 : i32
      %add3A_18 = arith.addi %mul3A_5, %mul3A_17 : i32
      "tpu.region"() ({
        %run_scoped3A = tpu.sem_alloc : memref<!tpu.dma_semaphore, #tpu.memory_space<semaphore_mem>>
        %dma_start3A_23 = tpu.memref_slice %arg3[%add3A_18] : memref<323584xi32, #tpu.memory_space<hbm>> -> memref<128xi32, #tpu.memory_space<hbm>>
        %dma_start3A_24 = tpu.memref_slice %arg3[%add3A_18] : memref<323584xi32, #tpu.memory_space<hbm>> -> memref<128xi32, #tpu.memory_space<hbm>>
        tpu.enqueue_dma source(%dma_start3A_24 : memref<128xi32, #tpu.memory_space<hbm>>) target(%arg7 : memref<128xi32, #tpu.memory_space<vmem>>) target_semaphore(%run_scoped3A : memref<!tpu.dma_semaphore, #tpu.memory_space<semaphore_mem>>)
        %dma_wait3A_25 = tpu.memref_slice %arg3[%add3A_18] : memref<323584xi32, #tpu.memory_space<hbm>> -> memref<128xi32, #tpu.memory_space<hbm>>
        %dma_wait3A_26 = tpu.memref_slice %arg3[%add3A_18] : memref<323584xi32, #tpu.memory_space<hbm>> -> memref<128xi32, #tpu.memory_space<hbm>>
        tpu.wait_dma2 semaphore(%run_scoped3A : memref<!tpu.dma_semaphore, #tpu.memory_space<semaphore_mem>>) src(%dma_wait3A_26 : memref<128xi32, #tpu.memory_space<hbm>>) dst(%arg7 : memref<128xi32, #tpu.memory_space<vmem>>)
        tpu.yield
      }) : () -> ()
      "tpu.region"() ({
        %run_scoped3A = tpu.sem_alloc : memref<!tpu.dma_semaphore, #tpu.memory_space<semaphore_mem>>
        %dma_start3A_23 = tpu.memref_slice %arg4[%add3A_18] : memref<323584xi32, #tpu.memory_space<hbm>> -> memref<128xi32, #tpu.memory_space<hbm>>
        %dma_start3A_24 = tpu.memref_slice %arg4[%add3A_18] : memref<323584xi32, #tpu.memory_space<hbm>> -> memref<128xi32, #tpu.memory_space<hbm>>
        tpu.enqueue_dma source(%dma_start3A_24 : memref<128xi32, #tpu.memory_space<hbm>>) target(%arg8 : memref<128xi32, #tpu.memory_space<vmem>>) target_semaphore(%run_scoped3A : memref<!tpu.dma_semaphore, #tpu.memory_space<semaphore_mem>>)
        %dma_wait3A_25 = tpu.memref_slice %arg4[%add3A_18] : memref<323584xi32, #tpu.memory_space<hbm>> -> memref<128xi32, #tpu.memory_space<hbm>>
        %dma_wait3A_26 = tpu.memref_slice %arg4[%add3A_18] : memref<323584xi32, #tpu.memory_space<hbm>> -> memref<128xi32, #tpu.memory_space<hbm>>
        tpu.wait_dma2 semaphore(%run_scoped3A : memref<!tpu.dma_semaphore, #tpu.memory_space<semaphore_mem>>) src(%dma_wait3A_26 : memref<128xi32, #tpu.memory_space<hbm>>) dst(%arg8 : memref<128xi32, #tpu.memory_space<vmem>>)
        tpu.yield
      }) : () -> ()
      %dma_start3A = arith.constant 0 : i32
      %dma_start3A_19 = arith.constant 0 : i32
      %dma_start3A_20 = tpu.memref_slice %arg2[%dma_start3A, %dma_start3A_19] : memref<10000x128xf32, #tpu.memory_space<hbm>> -> memref<10000x128xf32, #tpu.memory_space<hbm>>
      tpu.enqueue_indirect_dma source(%dma_start3A_20 : memref<10000x128xf32, #tpu.memory_space<hbm>>) target(%arg9 : memref<128x128xf32, #tpu.memory_space<vmem>>) offsets(%arg7 : memref<128xi32, #tpu.memory_space<vmem>>) semaphore(%arg11 : memref<!tpu.dma_semaphore, #tpu.memory_space<semaphore_mem>>)
      %dma_wait3A = arith.constant 0 : i32
      %dma_wait3A_21 = arith.constant 0 : i32
      %dma_wait3A_22 = tpu.memref_slice %arg2[%dma_wait3A, %dma_wait3A_21] : memref<10000x128xf32, #tpu.memory_space<hbm>> -> memref<10000x128xf32, #tpu.memory_space<hbm>>
      tpu.wait_indirect_dma semaphore(%arg11 : memref<!tpu.dma_semaphore, #tpu.memory_space<semaphore_mem>>) src(%dma_wait3A_22 : memref<10000x128xf32, #tpu.memory_space<hbm>>) dst(%arg9 : memref<128x128xf32, #tpu.memory_space<vmem>>)
      "tpu.region"() ({
        %run_scoped3A = tpu.sem_alloc : memref<!tpu.dma_semaphore, #tpu.memory_space<semaphore_mem>>
        %dma_start3A_23 = arith.constant 0 : i32
        %dma_start3A_24 = arith.constant 0 : i32
        %dma_start3A_25 = tpu.memref_slice %arg10[%dma_start3A_23, %dma_start3A_24] : memref<10112x128xf32, #tpu.memory_space<vmem_shared>> -> memref<10112x128xf32, #tpu.memory_space<vmem_shared>>
        tpu.enqueue_indirect_dma source(%arg9 : memref<128x128xf32, #tpu.memory_space<vmem>>) target(%dma_start3A_25 : memref<10112x128xf32, #tpu.memory_space<vmem_shared>>) offsets(%arg8 : memref<128xi32, #tpu.memory_space<vmem>>) semaphore(%run_scoped3A : memref<!tpu.dma_semaphore, #tpu.memory_space<semaphore_mem>>) {add = true}
        %dma_wait3A_26 = arith.constant 0 : i32
        %dma_wait3A_27 = arith.constant 0 : i32
        %dma_wait3A_28 = tpu.memref_slice %arg10[%dma_wait3A_26, %dma_wait3A_27] : memref<10112x128xf32, #tpu.memory_space<vmem_shared>> -> memref<10112x128xf32, #tpu.memory_space<vmem_shared>>
        tpu.wait_indirect_dma semaphore(%run_scoped3A : memref<!tpu.dma_semaphore, #tpu.memory_space<semaphore_mem>>) src(%arg9 : memref<128x128xf32, #tpu.memory_space<vmem>>) dst(%dma_wait3A_28 : memref<10112x128xf32, #tpu.memory_space<vmem_shared>>)
        tpu.yield
      }) : () -> ()
    }
    %scan3A_9 = arith.constant 79 : i32
    %barrier3A_10 = arith.constant 0 : index
    tpu.barrier barrier_id(%barrier3A_10)
    "tpu.region"() ({
      %run_scoped3A = tpu.sem_alloc : memref<!tpu.dma_semaphore, #tpu.memory_space<semaphore_mem>>
      %dma_start3A = arith.constant 0 : i32
      %dma_start3A_11 = arith.constant 0 : i32
      %dma_start3A_12 = tpu.memref_slice %arg6[%arg0, %dma_start3A, %dma_start3A_11] : memref<2x10112x128xf32, #tpu.memory_space<hbm>> -> memref<1x10112x128xf32, #tpu.memory_space<hbm>>
      %dma_start3A_13 = tpu.memref_squeeze %dma_start3A_12 : memref<1x10112x128xf32, #tpu.memory_space<hbm>> -> memref<10112x128xf32, #tpu.memory_space<hbm>>
      %dma_start3A_14 = arith.constant 0 : i32
      %dma_start3A_15 = tpu.memref_slice %dma_start3A_13[%mul3A_2, %dma_start3A_14] : memref<10112x128xf32, #tpu.memory_space<hbm>> -> memref<632x128xf32, #tpu.memory_space<hbm>>
      %dma_start3A_16 = arith.constant 0 : i32
      %dma_start3A_17 = tpu.memref_slice %arg10[%mul3A_2, %dma_start3A_16] : memref<10112x128xf32, #tpu.memory_space<vmem_shared>> -> memref<632x128xf32, #tpu.memory_space<vmem_shared>>
      tpu.enqueue_dma source(%dma_start3A_17 : memref<632x128xf32, #tpu.memory_space<vmem_shared>>) target(%dma_start3A_15 : memref<632x128xf32, #tpu.memory_space<hbm>>) target_semaphore(%run_scoped3A : memref<!tpu.dma_semaphore, #tpu.memory_space<semaphore_mem>>)
      %dma_wait3A = arith.constant 0 : i32
      %dma_wait3A_18 = arith.constant 0 : i32
      %dma_wait3A_19 = tpu.memref_slice %arg6[%arg0, %dma_wait3A, %dma_wait3A_18] : memref<2x10112x128xf32, #tpu.memory_space<hbm>> -> memref<1x10112x128xf32, #tpu.memory_space<hbm>>
      %dma_wait3A_20 = tpu.memref_squeeze %dma_wait3A_19 : memref<1x10112x128xf32, #tpu.memory_space<hbm>> -> memref<10112x128xf32, #tpu.memory_space<hbm>>
      %dma_wait3A_21 = arith.constant 0 : i32
      %dma_wait3A_22 = tpu.memref_slice %dma_wait3A_20[%mul3A_2, %dma_wait3A_21] : memref<10112x128xf32, #tpu.memory_space<hbm>> -> memref<632x128xf32, #tpu.memory_space<hbm>>
      %dma_wait3A_23 = arith.constant 0 : i32
      %dma_wait3A_24 = tpu.memref_slice %arg10[%mul3A_2, %dma_wait3A_23] : memref<10112x128xf32, #tpu.memory_space<vmem_shared>> -> memref<632x128xf32, #tpu.memory_space<vmem_shared>>
      tpu.wait_dma2 semaphore(%run_scoped3A : memref<!tpu.dma_semaphore, #tpu.memory_space<semaphore_mem>>) src(%dma_wait3A_24 : memref<632x128xf32, #tpu.memory_space<vmem_shared>>) dst(%dma_wait3A_22 : memref<632x128xf32, #tpu.memory_space<hbm>>)
      tpu.yield
    }) : () -> ()
    return
  }
}

#map = affine_map<(d0, d1) -> (0, 0)>
#map1 = affine_map<(d0, d1) -> (0)>
#map2 = affine_map<(d0, d1) -> (0, 0, 0)>
module attributes {stable_mosaic.version = 14 : i64} {
  func.func @segsum(%arg0: i32, %arg1: i32, %arg2: memref<10000x128xf32, #tpu.memory_space<hbm>>, %arg3: memref<323584xi32, #tpu.memory_space<hbm>>, %arg4: memref<323584xi32, #tpu.memory_space<hbm>>, %arg5: memref<632x128xf32, #tpu.memory_space<hbm>>, %arg6: memref<2x10112x128xf32, #tpu.memory_space<hbm>>, %arg7: memref<323584xf32, #tpu.memory_space<hbm>>, %arg8: memref<128xi32, #tpu.memory_space<vmem>>, %arg9: memref<128xi32, #tpu.memory_space<vmem>>, %arg10: memref<128x128xf32, #tpu.memory_space<vmem>>, %arg11: memref<10112x128xf32, #tpu.memory_space<vmem_shared>>, %arg12: memref<!tpu.dma_semaphore, #tpu.memory_space<semaphore_mem>>, %arg13: memref<10112xf32, #tpu.memory_space<vmem>>) attributes {dimension_semantics = [#tpu.dimension_semantics<core_parallel>, #tpu.dimension_semantics<subcore_parallel>], iteration_bounds = array<i64: 2, 16>, scalar_prefetch = 0 : i64, scratch_operands = 6 : i64, tpu.core_type = #tpu.core_type<sc_vector_subcore>, window_params = [{transform_indices = #map}, {transform_indices = #map1}, {transform_indices = #map1}, {transform_indices = #map}, {transform_indices = #map2}, {transform_indices = #map1}]} {
    %mul3A = arith.constant 16 : i32
    %mul3A_0 = arith.muli %arg0, %mul3A : i32
    %add3A = arith.addi %mul3A_0, %arg1 : i32
    %mul3A_1 = arith.constant 632 : i32
    %mul3A_2 = arith.muli %arg1, %mul3A_1 : i32
    "tpu.region"() ({
      %run_scoped3A = tpu.sem_alloc : memref<!tpu.dma_semaphore, #tpu.memory_space<semaphore_mem>>
      %dma_start3A = arith.constant 0 : i32
      %dma_start3A_20 = tpu.memref_slice %arg11[%mul3A_2, %dma_start3A] : memref<10112x128xf32, #tpu.memory_space<vmem_shared>> -> memref<632x128xf32, #tpu.memory_space<vmem_shared>>
      tpu.enqueue_dma source(%arg5 : memref<632x128xf32, #tpu.memory_space<hbm>>) target(%dma_start3A_20 : memref<632x128xf32, #tpu.memory_space<vmem_shared>>) target_semaphore(%run_scoped3A : memref<!tpu.dma_semaphore, #tpu.memory_space<semaphore_mem>>)
      %dma_wait3A = arith.constant 0 : i32
      %dma_wait3A_21 = tpu.memref_slice %arg11[%mul3A_2, %dma_wait3A] : memref<10112x128xf32, #tpu.memory_space<vmem_shared>> -> memref<632x128xf32, #tpu.memory_space<vmem_shared>>
      tpu.wait_dma2 semaphore(%run_scoped3A : memref<!tpu.dma_semaphore, #tpu.memory_space<semaphore_mem>>) src(%arg5 : memref<632x128xf32, #tpu.memory_space<hbm>>) dst(%dma_wait3A_21 : memref<632x128xf32, #tpu.memory_space<vmem_shared>>)
      tpu.yield
    }) : () -> ()
    %broadcast_in_dim3A = arith.constant 0.000000e+00 : f32
    %broadcast_in_dim3A_3 = vector.broadcast %broadcast_in_dim3A : f32 to vector<16xf32>
    %scan3A = arith.constant 0 : i32
    %scan3A_4 = arith.constant 632 : i32
    %scan3A_5 = arith.addi %scan3A, %scan3A_4 : i32
    %scan3A_6 = arith.constant 1 : i32
    scf.for %scan3A_20 = %scan3A to %scan3A_5 step %scan3A_6  : i32 {
      %mul3A_21 = arith.constant 1 : i32
      %mul3A_22 = arith.muli %scan3A_20, %mul3A_21 : i32
      %add3A_23 = arith.constant 0 : i32
      %add3A_24 = arith.addi %add3A_23, %mul3A_22 : i32
      %mul3A_25 = arith.constant 16 : i32
      %mul3A_26 = arith.muli %add3A_24, %mul3A_25 : i32
      %swap3A = arith.index_cast %mul3A_26 : i32 to index
      %swap3A_27 = tpu.vector_load %arg13[%swap3A] {strides = array<i32>} : memref<10112xf32, #tpu.memory_space<vmem>>, vector<16xf32>,
      tpu.vector_store %arg13[%swap3A], %broadcast_in_dim3A_3 {strides = array<i32>} : memref<10112xf32, #tpu.memory_space<vmem>>, vector<16xf32>,
    }
    %scan3A_7 = arith.constant 632 : i32
    %barrier3A = arith.constant 0 : index
    tpu.barrier barrier_id(%barrier3A)
    %broadcast_in_dim3A_8 = arith.constant 1.000000e+00 : f32
    %broadcast_in_dim3A_9 = vector.broadcast %broadcast_in_dim3A_8 : f32 to vector<16xf32>
    %mul3A_10 = arith.constant 10112 : i32
    %mul3A_11 = arith.muli %add3A, %mul3A_10 : i32
    %scan3A_12 = arith.constant 0 : i32
    %scan3A_13 = arith.constant 79 : i32
    %scan3A_14 = arith.addi %scan3A_12, %scan3A_13 : i32
    %scan3A_15 = arith.constant 1 : i32
    scf.for %scan3A_20 = %scan3A_12 to %scan3A_14 step %scan3A_15  : i32 {
      %mul3A_21 = arith.constant 1 : i32
      %mul3A_22 = arith.muli %scan3A_20, %mul3A_21 : i32
      %add3A_23 = arith.constant 0 : i32
      %add3A_24 = arith.addi %add3A_23, %mul3A_22 : i32
      %mul3A_25 = arith.constant 128 : i32
      %mul3A_26 = arith.muli %add3A_24, %mul3A_25 : i32
      %add3A_27 = arith.addi %mul3A_11, %mul3A_26 : i32
      "tpu.region"() ({
        %run_scoped3A = tpu.sem_alloc : memref<!tpu.dma_semaphore, #tpu.memory_space<semaphore_mem>>
        %dma_start3A_47 = tpu.memref_slice %arg3[%add3A_27] : memref<323584xi32, #tpu.memory_space<hbm>> -> memref<128xi32, #tpu.memory_space<hbm>>
        %dma_start3A_48 = tpu.memref_slice %arg3[%add3A_27] : memref<323584xi32, #tpu.memory_space<hbm>> -> memref<128xi32, #tpu.memory_space<hbm>>
        tpu.enqueue_dma source(%dma_start3A_48 : memref<128xi32, #tpu.memory_space<hbm>>) target(%arg8 : memref<128xi32, #tpu.memory_space<vmem>>) target_semaphore(%run_scoped3A : memref<!tpu.dma_semaphore, #tpu.memory_space<semaphore_mem>>)
        %dma_wait3A_49 = tpu.memref_slice %arg3[%add3A_27] : memref<323584xi32, #tpu.memory_space<hbm>> -> memref<128xi32, #tpu.memory_space<hbm>>
        %dma_wait3A_50 = tpu.memref_slice %arg3[%add3A_27] : memref<323584xi32, #tpu.memory_space<hbm>> -> memref<128xi32, #tpu.memory_space<hbm>>
        tpu.wait_dma2 semaphore(%run_scoped3A : memref<!tpu.dma_semaphore, #tpu.memory_space<semaphore_mem>>) src(%dma_wait3A_50 : memref<128xi32, #tpu.memory_space<hbm>>) dst(%arg8 : memref<128xi32, #tpu.memory_space<vmem>>)
        tpu.yield
      }) : () -> ()
      "tpu.region"() ({
        %run_scoped3A = tpu.sem_alloc : memref<!tpu.dma_semaphore, #tpu.memory_space<semaphore_mem>>
        %dma_start3A_47 = tpu.memref_slice %arg4[%add3A_27] : memref<323584xi32, #tpu.memory_space<hbm>> -> memref<128xi32, #tpu.memory_space<hbm>>
        %dma_start3A_48 = tpu.memref_slice %arg4[%add3A_27] : memref<323584xi32, #tpu.memory_space<hbm>> -> memref<128xi32, #tpu.memory_space<hbm>>
        tpu.enqueue_dma source(%dma_start3A_48 : memref<128xi32, #tpu.memory_space<hbm>>) target(%arg9 : memref<128xi32, #tpu.memory_space<vmem>>) target_semaphore(%run_scoped3A : memref<!tpu.dma_semaphore, #tpu.memory_space<semaphore_mem>>)
        %dma_wait3A_49 = tpu.memref_slice %arg4[%add3A_27] : memref<323584xi32, #tpu.memory_space<hbm>> -> memref<128xi32, #tpu.memory_space<hbm>>
        %dma_wait3A_50 = tpu.memref_slice %arg4[%add3A_27] : memref<323584xi32, #tpu.memory_space<hbm>> -> memref<128xi32, #tpu.memory_space<hbm>>
        tpu.wait_dma2 semaphore(%run_scoped3A : memref<!tpu.dma_semaphore, #tpu.memory_space<semaphore_mem>>) src(%dma_wait3A_50 : memref<128xi32, #tpu.memory_space<hbm>>) dst(%arg9 : memref<128xi32, #tpu.memory_space<vmem>>)
        tpu.yield
      }) : () -> ()
      %dma_start3A = arith.constant 0 : i32
      %dma_start3A_28 = arith.constant 0 : i32
      %dma_start3A_29 = tpu.memref_slice %arg2[%dma_start3A, %dma_start3A_28] : memref<10000x128xf32, #tpu.memory_space<hbm>> -> memref<10000x128xf32, #tpu.memory_space<hbm>>
      tpu.enqueue_indirect_dma source(%dma_start3A_29 : memref<10000x128xf32, #tpu.memory_space<hbm>>) target(%arg10 : memref<128x128xf32, #tpu.memory_space<vmem>>) offsets(%arg8 : memref<128xi32, #tpu.memory_space<vmem>>) semaphore(%arg12 : memref<!tpu.dma_semaphore, #tpu.memory_space<semaphore_mem>>)
      %dma_wait3A = arith.constant 0 : i32
      %dma_wait3A_30 = arith.constant 0 : i32
      %dma_wait3A_31 = tpu.memref_slice %arg2[%dma_wait3A, %dma_wait3A_30] : memref<10000x128xf32, #tpu.memory_space<hbm>> -> memref<10000x128xf32, #tpu.memory_space<hbm>>
      tpu.wait_indirect_dma semaphore(%arg12 : memref<!tpu.dma_semaphore, #tpu.memory_space<semaphore_mem>>) src(%dma_wait3A_31 : memref<10000x128xf32, #tpu.memory_space<hbm>>) dst(%arg10 : memref<128x128xf32, #tpu.memory_space<vmem>>)
      "tpu.region"() ({
        %run_scoped3A = tpu.sem_alloc : memref<!tpu.dma_semaphore, #tpu.memory_space<semaphore_mem>>
        %dma_start3A_47 = arith.constant 0 : i32
        %dma_start3A_48 = arith.constant 0 : i32
        %dma_start3A_49 = tpu.memref_slice %arg11[%dma_start3A_47, %dma_start3A_48] : memref<10112x128xf32, #tpu.memory_space<vmem_shared>> -> memref<10112x128xf32, #tpu.memory_space<vmem_shared>>
        tpu.enqueue_indirect_dma source(%arg10 : memref<128x128xf32, #tpu.memory_space<vmem>>) target(%dma_start3A_49 : memref<10112x128xf32, #tpu.memory_space<vmem_shared>>) offsets(%arg9 : memref<128xi32, #tpu.memory_space<vmem>>) semaphore(%run_scoped3A : memref<!tpu.dma_semaphore, #tpu.memory_space<semaphore_mem>>) {add = true}
        %dma_wait3A_50 = arith.constant 0 : i32
        %dma_wait3A_51 = arith.constant 0 : i32
        %dma_wait3A_52 = tpu.memref_slice %arg11[%dma_wait3A_50, %dma_wait3A_51] : memref<10112x128xf32, #tpu.memory_space<vmem_shared>> -> memref<10112x128xf32, #tpu.memory_space<vmem_shared>>
        tpu.wait_indirect_dma semaphore(%run_scoped3A : memref<!tpu.dma_semaphore, #tpu.memory_space<semaphore_mem>>) src(%arg10 : memref<128x128xf32, #tpu.memory_space<vmem>>) dst(%dma_wait3A_52 : memref<10112x128xf32, #tpu.memory_space<vmem_shared>>)
        tpu.yield
      }) : () -> ()
      %get3A = arith.constant 0 : index
      %get3A_32 = tpu.vector_load %arg9[%get3A] {strides = array<i32>} : memref<128xi32, #tpu.memory_space<vmem>>, vector<16xi32>,
      tpu.vector_store_idx %arg13[%get3A_32], %broadcast_in_dim3A_9 {add = true} : memref<10112xf32, #tpu.memory_space<vmem>>[vector<16xi32>], vector<16xf32>,
      %get3A_33 = arith.constant 16 : index
      %get3A_34 = tpu.vector_load %arg9[%get3A_33] {strides = array<i32>} : memref<128xi32, #tpu.memory_space<vmem>>, vector<16xi32>,
      tpu.vector_store_idx %arg13[%get3A_34], %broadcast_in_dim3A_9 {add = true} : memref<10112xf32, #tpu.memory_space<vmem>>[vector<16xi32>], vector<16xf32>,
      %get3A_35 = arith.constant 32 : index
      %get3A_36 = tpu.vector_load %arg9[%get3A_35] {strides = array<i32>} : memref<128xi32, #tpu.memory_space<vmem>>, vector<16xi32>,
      tpu.vector_store_idx %arg13[%get3A_36], %broadcast_in_dim3A_9 {add = true} : memref<10112xf32, #tpu.memory_space<vmem>>[vector<16xi32>], vector<16xf32>,
      %get3A_37 = arith.constant 48 : index
      %get3A_38 = tpu.vector_load %arg9[%get3A_37] {strides = array<i32>} : memref<128xi32, #tpu.memory_space<vmem>>, vector<16xi32>,
      tpu.vector_store_idx %arg13[%get3A_38], %broadcast_in_dim3A_9 {add = true} : memref<10112xf32, #tpu.memory_space<vmem>>[vector<16xi32>], vector<16xf32>,
      %get3A_39 = arith.constant 64 : index
      %get3A_40 = tpu.vector_load %arg9[%get3A_39] {strides = array<i32>} : memref<128xi32, #tpu.memory_space<vmem>>, vector<16xi32>,
      tpu.vector_store_idx %arg13[%get3A_40], %broadcast_in_dim3A_9 {add = true} : memref<10112xf32, #tpu.memory_space<vmem>>[vector<16xi32>], vector<16xf32>,
      %get3A_41 = arith.constant 80 : index
      %get3A_42 = tpu.vector_load %arg9[%get3A_41] {strides = array<i32>} : memref<128xi32, #tpu.memory_space<vmem>>, vector<16xi32>,
      tpu.vector_store_idx %arg13[%get3A_42], %broadcast_in_dim3A_9 {add = true} : memref<10112xf32, #tpu.memory_space<vmem>>[vector<16xi32>], vector<16xf32>,
      %get3A_43 = arith.constant 96 : index
      %get3A_44 = tpu.vector_load %arg9[%get3A_43] {strides = array<i32>} : memref<128xi32, #tpu.memory_space<vmem>>, vector<16xi32>,
      tpu.vector_store_idx %arg13[%get3A_44], %broadcast_in_dim3A_9 {add = true} : memref<10112xf32, #tpu.memory_space<vmem>>[vector<16xi32>], vector<16xf32>,
      %get3A_45 = arith.constant 112 : index
      %get3A_46 = tpu.vector_load %arg9[%get3A_45] {strides = array<i32>} : memref<128xi32, #tpu.memory_space<vmem>>, vector<16xi32>,
      tpu.vector_store_idx %arg13[%get3A_46], %broadcast_in_dim3A_9 {add = true} : memref<10112xf32, #tpu.memory_space<vmem>>[vector<16xi32>], vector<16xf32>,
    }
    %scan3A_16 = arith.constant 79 : i32
    %barrier3A_17 = arith.constant 0 : index
    tpu.barrier barrier_id(%barrier3A_17)
    "tpu.region"() ({
      %run_scoped3A = tpu.sem_alloc : memref<!tpu.dma_semaphore, #tpu.memory_space<semaphore_mem>>
      %dma_start3A = arith.constant 0 : i32
      %dma_start3A_20 = arith.constant 0 : i32
      %dma_start3A_21 = tpu.memref_slice %arg6[%arg0, %dma_start3A, %dma_start3A_20] : memref<2x10112x128xf32, #tpu.memory_space<hbm>> -> memref<1x10112x128xf32, #tpu.memory_space<hbm>>
      %dma_start3A_22 = tpu.memref_squeeze %dma_start3A_21 : memref<1x10112x128xf32, #tpu.memory_space<hbm>> -> memref<10112x128xf32, #tpu.memory_space<hbm>>
      %dma_start3A_23 = arith.constant 0 : i32
      %dma_start3A_24 = tpu.memref_slice %dma_start3A_22[%mul3A_2, %dma_start3A_23] : memref<10112x128xf32, #tpu.memory_space<hbm>> -> memref<632x128xf32, #tpu.memory_space<hbm>>
      %dma_start3A_25 = arith.constant 0 : i32
      %dma_start3A_26 = tpu.memref_slice %arg11[%mul3A_2, %dma_start3A_25] : memref<10112x128xf32, #tpu.memory_space<vmem_shared>> -> memref<632x128xf32, #tpu.memory_space<vmem_shared>>
      tpu.enqueue_dma source(%dma_start3A_26 : memref<632x128xf32, #tpu.memory_space<vmem_shared>>) target(%dma_start3A_24 : memref<632x128xf32, #tpu.memory_space<hbm>>) target_semaphore(%run_scoped3A : memref<!tpu.dma_semaphore, #tpu.memory_space<semaphore_mem>>)
      %dma_wait3A = arith.constant 0 : i32
      %dma_wait3A_27 = arith.constant 0 : i32
      %dma_wait3A_28 = tpu.memref_slice %arg6[%arg0, %dma_wait3A, %dma_wait3A_27] : memref<2x10112x128xf32, #tpu.memory_space<hbm>> -> memref<1x10112x128xf32, #tpu.memory_space<hbm>>
      %dma_wait3A_29 = tpu.memref_squeeze %dma_wait3A_28 : memref<1x10112x128xf32, #tpu.memory_space<hbm>> -> memref<10112x128xf32, #tpu.memory_space<hbm>>
      %dma_wait3A_30 = arith.constant 0 : i32
      %dma_wait3A_31 = tpu.memref_slice %dma_wait3A_29[%mul3A_2, %dma_wait3A_30] : memref<10112x128xf32, #tpu.memory_space<hbm>> -> memref<632x128xf32, #tpu.memory_space<hbm>>
      %dma_wait3A_32 = arith.constant 0 : i32
      %dma_wait3A_33 = tpu.memref_slice %arg11[%mul3A_2, %dma_wait3A_32] : memref<10112x128xf32, #tpu.memory_space<vmem_shared>> -> memref<632x128xf32, #tpu.memory_space<vmem_shared>>
      tpu.wait_dma2 semaphore(%run_scoped3A : memref<!tpu.dma_semaphore, #tpu.memory_space<semaphore_mem>>) src(%dma_wait3A_33 : memref<632x128xf32, #tpu.memory_space<vmem_shared>>) dst(%dma_wait3A_31 : memref<632x128xf32, #tpu.memory_space<hbm>>)
      tpu.yield
    }) : () -> ()
    %mul3A_18 = arith.constant 10112 : i32
    %mul3A_19 = arith.muli %add3A, %mul3A_18 : i32
    "tpu.region"() ({
      %run_scoped3A = tpu.sem_alloc : memref<!tpu.dma_semaphore, #tpu.memory_space<semaphore_mem>>
      %dma_start3A = tpu.memref_slice %arg7[%mul3A_19] : memref<323584xf32, #tpu.memory_space<hbm>> -> memref<10112xf32, #tpu.memory_space<hbm>>
      %dma_start3A_20 = tpu.memref_slice %arg7[%mul3A_19] : memref<323584xf32, #tpu.memory_space<hbm>> -> memref<10112xf32, #tpu.memory_space<hbm>>
      tpu.enqueue_dma source(%arg13 : memref<10112xf32, #tpu.memory_space<vmem>>) target(%dma_start3A_20 : memref<10112xf32, #tpu.memory_space<hbm>>) target_semaphore(%run_scoped3A : memref<!tpu.dma_semaphore, #tpu.memory_space<semaphore_mem>>)
      %dma_wait3A = tpu.memref_slice %arg7[%mul3A_19] : memref<323584xf32, #tpu.memory_space<hbm>> -> memref<10112xf32, #tpu.memory_space<hbm>>
      %dma_wait3A_21 = tpu.memref_slice %arg7[%mul3A_19] : memref<323584xf32, #tpu.memory_space<hbm>> -> memref<10112xf32, #tpu.memory_space<hbm>>
      tpu.wait_dma2 semaphore(%run_scoped3A : memref<!tpu.dma_semaphore, #tpu.memory_space<semaphore_mem>>) src(%arg13 : memref<10112xf32, #tpu.memory_space<vmem>>) dst(%dma_wait3A_21 : memref<10112xf32, #tpu.memory_space<hbm>>)
      tpu.yield
    }) : () -> ()
    return
  }
}

module attributes {stable_mosaic.version = 14 : i64} {
  func.func @body(%arg0: memref<10000x128xf32, #tpu.memory_space<vmem>>, %arg1: memref<128x128xf32, #tpu.memory_space<vmem>>, %arg2: memref<1x128xf32, #tpu.memory_space<vmem>>, %arg3: memref<10000x128xf32, #tpu.memory_space<vmem>>) attributes {dimension_semantics = [], scalar_prefetch = 0 : i64, scratch_operands = 0 : i64, tpu.core_type = #tpu.core_type<tc>} {
    %get3A = arith.constant 0 : index
    %get3A_0 = arith.constant 0 : index
    %get3A_1 = vector.load %arg0[%get3A, %get3A_0] : memref<10000x128xf32, #tpu.memory_space<vmem>>, vector<10000x128xf32>
    %get3A_2 = arith.constant 0 : index
    %get3A_3 = arith.constant 0 : index
    %get3A_4 = vector.load %arg1[%get3A_2, %get3A_3] : memref<128x128xf32, #tpu.memory_space<vmem>>, vector<128x128xf32>
    %dot_general3A = arith.constant dense<0.000000e+00> : vector<10000x128xf32>
    %dot_general3A_5 = tpu.matmul %get3A_1, %get3A_4, %dot_general3A {dimension_numbers = #tpu.dot_dimension_numbers<[1], [0], [0], [1], [0, 0, 1, 1], [], []>, precision = #tpu.contract_precision<fp32>, transpose_lhs_hint = false} : vector<10000x128xf32>, vector<128x128xf32>, vector<10000x128xf32> -> vector<10000x128xf32>
    %get3A_6 = arith.constant 0 : index
    %get3A_7 = arith.constant 0 : index
    %get3A_8 = vector.load %arg2[%get3A_6, %get3A_7] : memref<1x128xf32, #tpu.memory_space<vmem>>, vector<1x128xf32>
    %add3A = vector.broadcast %get3A_8 : vector<1x128xf32> to vector<10000x128xf32>
    %add3A_9 = arith.addf %dot_general3A_5, %add3A : vector<10000x128xf32>
    %swap3A = arith.constant 0 : index
    %swap3A_10 = arith.constant 0 : index
    %swap3A_11 = vector.load %arg3[%swap3A, %swap3A_10] : memref<10000x128xf32, #tpu.memory_space<vmem>>, vector<10000x128xf32>
    tpu.vector_store %arg3[%swap3A, %swap3A_10], %add3A_9 {strides = array<i32>} : memref<10000x128xf32, #tpu.memory_space<vmem>>, vector<10000x128xf32>,
    return
  }
}

module attributes {stable_mosaic.version = 14 : i64} {
  func.func @body(%arg0: memref<2x10112x128xf32, #tpu.memory_space<vmem>>, %arg1: memref<32x10112xf32, #tpu.memory_space<vmem>>, %arg2: memref<128x128xf32, #tpu.memory_space<vmem>>, %arg3: memref<10000x128xf32, #tpu.memory_space<vmem>>, %arg4: memref<10000x128xf32, #tpu.memory_space<vmem>>) attributes {dimension_semantics = [], scalar_prefetch = 0 : i64, scratch_operands = 0 : i64, tpu.core_type = #tpu.core_type<tc>} {
    %get3A = arith.constant 0 : index
    %get3A_0 = arith.constant 0 : index
    %get3A_1 = arith.constant 0 : index
    %get3A_2 = vector.load %arg0[%get3A, %get3A_0, %get3A_1] : memref<2x10112x128xf32, #tpu.memory_space<vmem>>, vector<1x10000x128xf32>
    %get3A_3 = vector.shape_cast %get3A_2 : vector<1x10000x128xf32> to vector<10000x128xf32>
    %get3A_4 = arith.constant 1 : index
    %get3A_5 = arith.constant 0 : index
    %get3A_6 = arith.constant 0 : index
    %get3A_7 = vector.load %arg0[%get3A_4, %get3A_5, %get3A_6] : memref<2x10112x128xf32, #tpu.memory_space<vmem>>, vector<1x10000x128xf32>
    %get3A_8 = vector.shape_cast %get3A_7 : vector<1x10000x128xf32> to vector<10000x128xf32>
    %add3A = arith.addf %get3A_3, %get3A_8 : vector<10000x128xf32>
    %get3A_9 = arith.constant 0 : index
    %get3A_10 = arith.constant 0 : index
    %get3A_11 = vector.load %arg1[%get3A_9, %get3A_10] : memref<32x10112xf32, #tpu.memory_space<vmem>>, vector<32x10112xf32>
    %reduce_sum3A = arith.constant dense<0.000000e+00> : vector<10112xf32>
    %reduce_sum3A_12 = vector.multi_reduction <add>, %get3A_11, %reduce_sum3A [0] : vector<32x10112xf32> to vector<10112xf32>
    %slice3A = vector.extract_strided_slice %reduce_sum3A_12 {offsets = [0], sizes = [10000], strides = [1]} : vector<10112xf32> to vector<10000xf32>
    %jit3A = arith.constant 1.000000e+00 : f32
    %max3A = vector.broadcast %jit3A : f32 to vector<10000xf32>
    %max3A_13 = arith.maximumf %max3A, %slice3A : vector<10000xf32>
    %broadcast_in_dim3A = vector.shape_cast %max3A_13 : vector<10000xf32> to vector<10000x1xf32>
    %div3A = vector.broadcast %broadcast_in_dim3A : vector<10000x1xf32> to vector<10000x128xf32>
    %div3A_14 = arith.divf %add3A, %div3A : vector<10000x128xf32>
    %get3A_15 = arith.constant 0 : index
    %get3A_16 = arith.constant 0 : index
    %get3A_17 = vector.load %arg2[%get3A_15, %get3A_16] : memref<128x128xf32, #tpu.memory_space<vmem>>, vector<128x128xf32>
    %dot_general3A = arith.constant dense<0.000000e+00> : vector<10000x128xf32>
    %dot_general3A_18 = tpu.matmul %div3A_14, %get3A_17, %dot_general3A {dimension_numbers = #tpu.dot_dimension_numbers<[1], [0], [0], [1], [0, 0, 1, 1], [], []>, precision = #tpu.contract_precision<fp32>, transpose_lhs_hint = false} : vector<10000x128xf32>, vector<128x128xf32>, vector<10000x128xf32> -> vector<10000x128xf32>
    %get3A_19 = arith.constant 0 : index
    %get3A_20 = arith.constant 0 : index
    %get3A_21 = vector.load %arg3[%get3A_19, %get3A_20] : memref<10000x128xf32, #tpu.memory_space<vmem>>, vector<10000x128xf32>
    %add3A_22 = arith.addf %dot_general3A_18, %get3A_21 : vector<10000x128xf32>
    %max3A_23 = arith.constant 0.000000e+00 : f32
    %max3A_24 = vector.broadcast %max3A_23 : f32 to vector<10000x128xf32>
    %max3A_25 = arith.maximumf %add3A_22, %max3A_24 : vector<10000x128xf32>
    %swap3A = arith.constant 0 : index
    %swap3A_26 = arith.constant 0 : index
    %swap3A_27 = vector.load %arg4[%swap3A, %swap3A_26] : memref<10000x128xf32, #tpu.memory_space<vmem>>, vector<10000x128xf32>
    tpu.vector_store %arg4[%swap3A, %swap3A_26], %max3A_25 {strides = array<i32>} : memref<10000x128xf32, #tpu.memory_space<vmem>>, vector<10000x128xf32>,
    return
  }
}

module attributes {stable_mosaic.version = 14 : i64} {
  func.func @body(%arg0: memref<10000x128xf32, #tpu.memory_space<vmem>>, %arg1: memref<128x2xf32, #tpu.memory_space<vmem>>, %arg2: memref<1x2xf32, #tpu.memory_space<vmem>>, %arg3: memref<10000x2xf32, #tpu.memory_space<vmem>>) attributes {dimension_semantics = [], scalar_prefetch = 0 : i64, scratch_operands = 0 : i64, tpu.core_type = #tpu.core_type<tc>} {
    %get3A = arith.constant 0 : index
    %get3A_0 = arith.constant 0 : index
    %get3A_1 = vector.load %arg0[%get3A, %get3A_0] : memref<10000x128xf32, #tpu.memory_space<vmem>>, vector<10000x128xf32>
    %get3A_2 = arith.constant 0 : index
    %get3A_3 = arith.constant 0 : index
    %get3A_4 = vector.load %arg1[%get3A_2, %get3A_3] : memref<128x2xf32, #tpu.memory_space<vmem>>, vector<128x2xf32>
    %dot_general3A = arith.constant dense<0.000000e+00> : vector<10000x2xf32>
    %dot_general3A_5 = tpu.matmul %get3A_1, %get3A_4, %dot_general3A {dimension_numbers = #tpu.dot_dimension_numbers<[1], [0], [0], [1], [0, 0, 1, 1], [], []>, precision = #tpu.contract_precision<fp32>, transpose_lhs_hint = false} : vector<10000x128xf32>, vector<128x2xf32>, vector<10000x2xf32> -> vector<10000x2xf32>
    %get3A_6 = arith.constant 0 : index
    %get3A_7 = arith.constant 0 : index
    %get3A_8 = vector.load %arg2[%get3A_6, %get3A_7] : memref<1x2xf32, #tpu.memory_space<vmem>>, vector<1x2xf32>
    %add3A = vector.broadcast %get3A_8 : vector<1x2xf32> to vector<10000x2xf32>
    %add3A_9 = arith.addf %dot_general3A_5, %add3A : vector<10000x2xf32>
    %swap3A = arith.constant 0 : index
    %swap3A_10 = arith.constant 0 : index
    %swap3A_11 = vector.load %arg3[%swap3A, %swap3A_10] : memref<10000x2xf32, #tpu.memory_space<vmem>>, vector<10000x2xf32>
    tpu.vector_store %arg3[%swap3A, %swap3A_10], %add3A_9 {strides = array<i32>} : memref<10000x2xf32, #tpu.memory_space<vmem>>, vector<10000x2xf32>,
    return
  }
}

</mosaic_0001>

<sc_bundles>
// kernel: kernel.12.cloned.1.call-start
scs
__scs_entry_jumppad:
0x0: {  	(pc) =	sbr.rel $0x88, $3  }
0x1: {  	(tag) =	ssettag $0x0;
	lr =	simm.s32 $0x1  }
0x2: {  	[smem:$0x3F97] =	sst lr;
	_ =	strace $0xD0000000  }
0x3: {  	_ = 	snop  }
0x4: {  	_ = 	snop  }
0x5: {  	_ = 	snop  }
0x6: {  	_ = 	snop  }
0x7: {  	_ = 	snop  }
__scs_overlays_trampoline_lowered:
0x8: {  	[smem:$0x3FA6] =	sst s0  }
0x9: {  	[smem:$0x3FA7] =	sst s1  }
0xa: {  	[smem:$0x3FA8] =	sst s2  }
0xb: {  	[smem:$0x3FA9] =	sst s3  }
0xc: {  	[smem:$0x3FAA] =	sst s4  }
0xd: {  	[smem:$0x3FAB] =	sst s5  }
0xe: {  	[smem:$0x3FAC] =	sst s6  }
0xf: {  	[smem:$0x3FAD] =	sst s7  }
0x10: {  	[smem:$0x3FAE] =	sst s8  }
0x11: {  	[smem:$0x3FAF] =	sst s9;
	s0 =	simm.s32 @!p0 $0x0  }
0x12: {  	s1 =	sld [smem:$0x3F95];
	s0 =	simm.s32 @p0 $0x1  }
0x13: {  	[smem:$0x3FB0] =	sst s0;
	s0 =	simm.s32 @!p1 $0x0  }
0x14: {  	s2 =	sld [smem:$0x3F94];
	s0 =	simm.s32 @p1 $0x1  }
0x15: {  	[smem:$0x3FB1] =	sst s0;
	s0 =	simm.s32 @!p2 $0x0  }
0x16: {  	s3 =	sld [smem:$0x3FDB];
	s0 =	simm.s32 @p2 $0x1  }
0x17: {  	s4 =	simm.s32 $0x1BF5;
	[smem:$0x3FB3] =	sst s0  }
0x18: {  	s0 =	sld [smem:$0x3F96];
	_ =	swait.ge [sflag:s4], $0x0  }
0x19: {  	s7 =	sld [smem:$0x3F97]  }
0x1a: {  	s8 =	sadd.s32 $0xFFFFE003, lr  }
0x1b: {  	s9 =	sadd.s32 $0xFFFFFEF7, lr;
	s5 =	simm.s32 $0xFFFFFFFF;
	p2 =	slt.u32 s8, $0xFFFFF086  }
0x1c: {  	p1 =	slt.u32 s9, $0xF7A;
	s5 =	simm.s32 @!p2 $0x0  }
0x1d: {  	s5 =	simm.s32 @p1 $0x1;
	p0 =	seq.s32 s7, s2  }
0x1e: {  	s7 =	smul.u32 @!p0 $0xF7A, s2;
	p2 =	seq.s32 @!p0 s5, $0x0  }
0x1f: {  	s9 =	smul.u32 $0xF7A, s1;
	s8 =	simm.s32 @!p0 $0x1BF5;
	p2 =	por !p2, p0  }
0x20: {  	[sflag:s8] =	ssyncset.s32 @!p0 $0xFFFFF086;
	s6 =	sadd.s32 @!p0 s3, s7;
	s7 =	simm.s32 @!p0 $0x108  }
0x21: {  	s3 =	sadd.s32 s3, s9;
	s6 =	sadd.s32 @!p0 $0x88, s6;
	s7 =	simm.s32 @p2 $0x1082  }
0x22: {  	[simem:s7], [sflag:s8] =	dma.local @!p0 [hbm:s6], $0xF7A  }
0x23: {  	s9 =	sor.u32 $0xD0000000, s2;
	s6 =	simm.s32 $0x108;
	_ =	swait.ge @!p0 [sflag:s8], $0x0  }
0x24: {  	s3 =	sadd.s32 $0x88, s3;
	s6 =	simm.s32 @!p1 $0x1082;
	[sflag:s4] =	ssyncset.s32 $0xFFFFF086  }
0x25: {  	[simem:s6], [sflag:s4] =	dma.local [hbm:s3], $0xF7A  }
0x26: {  	[smem:$0x3F97] =	sst s1;
	(tag) =	ssettag s2;
	_ =	strace s9  }
0x27: {  	s1 =	sld [smem:$0x3FA7]  }
0x28: {  	s2 =	sld [smem:$0x3FA8]  }
0x29: {  	s4 =	sld [smem:$0x3FAA]  }
0x2a: {  	p0 =	seq.s32 s5, $0x0;
	s5 =	sld [smem:$0x3FAB]  }
0x2b: {  	s6 =	sld [smem:$0x3FAC]  }
0x2c: {  	s7 =	sld [smem:$0x3FAD]  }
0x2d: {  	s3 =	simm.s32 $0x108;
	s8 =	sld [smem:$0x3FAE]  }
0x2e: {  	s3 =	simm.s32 @!p0 $0x1082;
	s9 =	sld [smem:$0x3FAF]  }
0x2f: {  	lr =	sadd.s32 s0, s3;
	s0 =	sld [smem:$0x3FA6]  }
0x30: {  	s3 =	sld [smem:$0x3FA9]  }
0x31: {  	[smem:$0x3FB2] =	sst s10  }
0x32: {  	s10 =	sld [smem:$0x3FB0];
	_ =	sdelay $0x3  }
0x33: {  	p0 =	seq.s32 s10, $0x1;
	s10 =	sld [smem:$0x3FB2];
	_ =	sdelay $0x3  }
0x34: {  	[smem:$0x3FB2] =	sst s10  }
0x35: {  	s10 =	sld [smem:$0x3FB1];
	_ =	sdelay $0x3  }
0x36: {  	p1 =	seq.s32 s10, $0x1;
	s10 =	sld [smem:$0x3FB2];
	_ =	sdelay $0x3  }
0x37: {  	[smem:$0x3FB2] =	sst s10  }
0x38: {  	s10 =	sld [smem:$0x3FB3]  }
0x39: {  	_ = 	snop;
	(pc) =	sbr.ind lr, $3  }
0x3a: {  	_ = 	snop  }
0x3b: {  	_ = 	snop  }
0x3c: {  	p2 =	seq.s32 s10, $0x1;
	s10 =	sld [smem:$0x3FB2]  }
0x3d: {  	_ =	shalt  }
0x3e: {  	_ =	shalt  }
0x3f: {  	_ =	shalt  }
0x40: {  	_ =	shalt  }
0x41: {  	_ =	shalt  }
0x42: {  	_ =	shalt  }
0x43: {  	_ =	shalt  }
0x44: {  	_ =	shalt  }
0x45: {  	_ =	shalt  }
0x46: {  	_ =	shalt  }
0x47: {  	_ =	shalt  }
0x48: {  	_ =	shalt  }
0x49: {  	_ =	shalt  }
0x4a: {  	_ =	shalt  }
0x4b: {  	_ =	shalt  }
0x4c: {  	_ =	shalt  }
0x4d: {  	_ =	shalt  }
0x4e: {  	_ =	shalt  }
0x4f: {  	_ =	shalt  }
0x50: {  	_ =	shalt  }
0x51: {  	_ =	shalt  }
0x52: {  	_ =	shalt  }
0x53: {  	_ =	shalt  }
0x54: {  	_ =	shalt  }
0x55: {  	_ =	shalt  }
0x56: {  	_ =	shalt  }
0x57: {  	_ =	shalt  }
0x58: {  	_ =	shalt  }
0x59: {  	_ =	shalt  }
0x5a: {  	_ =	shalt  }
0x5b: {  	_ =	shalt  }
0x5c: {  	_ =	shalt  }
0x5d: {  	_ =	shalt  }
0x5e: {  	_ =	shalt  }
0x5f: {  	_ =	shalt  }
0x60: {  	_ =	shalt  }
0x61: {  	_ =	shalt  }
0x62: {  	_ =	shalt  }
0x63: {  	_ =	shalt  }
0x64: {  	_ =	shalt  }
0x65: {  	_ =	shalt  }
0x66: {  	_ =	shalt  }
0x67: {  	_ =	shalt  }
0x68: {  	_ =	shalt  }
0x69: {  	_ =	shalt  }
0x6a: {  	_ =	shalt  }
0x6b: {  	_ =	shalt  }
0x6c: {  	_ =	shalt  }
0x6d: {  	_ =	shalt  }
0x6e: {  	_ =	shalt  }
0x6f: {  	_ =	shalt  }
0x70: {  	_ =	shalt  }
0x71: {  	_ =	shalt  }
0x72: {  	_ =	shalt  }
0x73: {  	_ =	shalt  }
0x74: {  	_ =	shalt  }
0x75: {  	_ =	shalt  }
0x76: {  	_ =	shalt  }
0x77: {  	_ =	shalt  }
0x78: {  	_ =	shalt  }
0x79: {  	_ =	shalt  }
0x7a: {  	_ =	shalt  }
0x7b: {  	_ =	shalt  }
0x7c: {  	_ =	shalt  }
0x7d: {  	_ =	shalt  }
0x7e: {  	_ =	shalt  }
0x7f: {  	_ =	shalt  }
0x80: {  	_ =	shalt  }
0x81: {  	_ =	shalt  }
0x82: {  	_ =	shalt  }
0x83: {  	_ =	shalt  }
0x84: {  	_ =	shalt  }
0x85: {  	_ =	shalt  }
0x86: {  	_ =	shalt  }
0x87: {  	_ =	shalt  }
.Lfunc_end0:
.L_simem_size_0:
called_computation.1_lowered:
.L_overlay_start_0:
0x88: {  	s2 =	sld [smem:$0x3FD9]  }
0x89: {  	s3 =	sld [smem:$0x3FFE];
	_ =	sdelay $0x1  }
0x8a: {  	s1 =	srdreg.scid  }
0x8b: {  	s0 =	sand.u32 $0x1, s1  }
0x8c: {  	s16 =	sshll.u32 s0, $0xA;
	s2 =	sadd.s32 s3, s2  }
0x8d: {  	s2 =	sadd.s32 s2, s16  }
0x8e: {  	[smem:$0x3FBE] =	sst s2  }
0x8f: {  	_ = 	snop  }
0x90: {  	(tm) =	ssettm $0x1  }
0x91: {  	s17 =	sld [smem:$0x3FFB];
	_ =	sdelay $0x3  }
0x92: {  	_ =	strace s17  }
0x93: {  	s2 =	sld [smem:$0x3FFC];
	_ =	sdelay $0x3  }
0x94: {  	_ =	strace s2  }
0x95: {  	s2 =	sld [smem:$0x3FFD];
	_ =	sdelay $0x3  }
0x96: {  	_ =	strace s2  }
0x97: {  	_ =	strace $0x8FFFFFFF  }
0x98: {  	s18 =	sld [smem:$0x3FDB];
	_ =	sdelay $0x1  }
0x99: {  	s19 =	simm.s32 $_scs_section_size  }
0x9a: {  	s4 =	simm.s32 $_size__tile_overlayer_lowered;
	s5 =	simm.s32 $_tile_overlayer_lowered  }
0x9b: {  	s22 =	simm.s32 $0x1BFF;
	s21 =	sshll.u32 s5, $0x1;
	s2 =	sadd.s32 s19, s18  }
0x9c: {  	s6 =	simm.s32 $0x0;
	s20 =	sshll.u32 s4, $0x1;
	s4 =	sadd.s32 s21, s2  }
0x9d: {  	[timem:s6], [sflag:s22] =	dma.local [hbm:s4], s20  }
0x9e: {  	_ =	swait.ge [sflag:s22], s20  }
0x9f: {  	s3 =	ssub.s32 $0x0, s20;
	[sflag:s22] =	ssyncset.done $0x0  }
0xa0: {  	[sflag:s22] =	ssyncadd.s32 s3;
	_ =	sdelay $0x1  }
0xa1: {  	s23 =	simm.s32 $0x1B8B  }
0xa2: {  	_ =	swait.ge [sflag:s23], $0x1  }
0xa3: {  	[sflag:s23] =	ssyncset.done $0x0  }
0xa4: {  	s25 =	simm.s32 $0x1B8E;
	s24 =	sld [smem:$0x3FFE];
	[sflag:s23] =	ssyncadd.s32 $0xFFFFFFFF  }
0xa5: {  	s26 =	simm.s32 $execute0_lowered;
	[smem:$0x3FD2] =	sst s25  }
0xa6: {  	s4 =	sshll.u32 s26, $0x1;
	_ =	strace $0x80000049;
	[dreg:$0x1] =	wrdreg $0xFFFFFFFF  }
0xa7: {  	s28 =	simm.s32 $_size_execute0_lowered;
	s2 =	sadd.s32 s2, s4;
	[dreg:$0x0] =	wrdreg $0x0  }
0xa8: {  	s4 =	sshll.u32 s28, $0x1;
	[dreg:$0x2] =	wrdreg s2  }
0xa9: {  	[dreg:$0x3] =	wrdreg s4  }
0xaa: {  	[dreg:$0x4] =	wrdreg $0xC0  }
0xab: {  	_ =	task [dreg:s6], $0x5FFFF  }
0xac: {  	[dreg:$0x1] =	wrdreg $0xFFFFFFFF  }
0xad: {  	[dreg:$0x0] =	wrdreg $0x60  }
0xae: {  	[dreg:$0x2] =	wrdreg s24  }
0xaf: {  	[dreg:$0x3] =	wrdreg $0x41000  }
0xb0: {  	[dreg:$0x4] =	wrdreg $0x9  }
0xb1: {  	_ =	task.clear_ibuf [dreg:s6], $0x5FFFF;
	_ =	strace $0x90000049  }
0xb2: {  	s29 =	simm.s32 $0x9;
	_ =	strace $0x8000004B  }
0xb3: {  	_ =	swait.ge [sflag:s29], $0x1  }
0xb4: {  	[sflag:s29] =	ssyncadd.s32 $0xFFFFFFFF  }
0xb5: {  	_ =	strace $0x9000004B  }
0xb6: {  	_ =	sfence  }
0xb7: {  	s30 =	sld [smem:$0x0];
	_ =	sdelay $0x2  }
0xb8: {  	s31 =	sshll.u32 s1, $0xD;
	s1 =	sshrl.u32 s1, $0x2  }
0xb9: {  	s3 =	sand.u32 $0x4000, s31;
	s1 =	sadd.s32 s1, s30  }
0xba: {  	s0 =	sor.u32 s3, s0;
	s1 =	sshll.u32 s1, $0x11  }
0xbb: {  	s0 =	sor.u32 s1, s0  }
0xbc: {  	s0 =	sadd.s32 $0x8F2B, s0  }
0xbd: {  	[sflag:s0] =	ssyncadd.remote.s32 $0x1  }
0xbe: {  	_ =	sfence.sel $0xFFFF  }
0xbf: {  	[dreg:$0x0] =	wrdreg $0xFFFFFFFF;
	(pc) =	sbr.abs _section_cstart, $3  }
0xc0: {  	[dreg:$0x1] =	wrdreg $0xFFFFFFFF  }
0xc1: {  	_ =	task.clear_ibuf [dreg:s6], $0x2FFFF;
	_ =	strace $0x9FFFFFFF  }
0xc2: {  	(tm) =	ssettm $0x7FFFFFFF  }
0xc3: {  	_ =	shalt  }
tec
execute0_lowered:
.L_overlay_start_1:
0x0: {  	(tag) =	ssettag $0x1  }
0x1: {  	s6 =	rddreg [dreg:$0x0]  }
0x2: {  	s1 =	rddreg [dreg:$0x1]  }
0x3: {  	s0 =	rddreg [dreg:$0x2];
	s3 =	srdreg.scid  }
0x4: {  	s2 =	simm.s32 $0x0;
	s13 =	simm.s32 $0x100;
	s5 =	sand.u32 $0x1, s3  }
0x5: {  	s14 =	simm.s32 $0x1;
	[smem:$0x7FF] =	sst s2;
	s7 =	smul.u32 $0x4F00, s5  }
0x6: {  	s4 =	sadd.s32 $0x18800, s6;
	s3 =	stileid.u32;
	s8 =	smul.u32 $0x27800, s5  }
0x7: {  	_ =	strace $0x8000004A;
	s9 =	ssub.s32 $0x2, s5;
	s11 =	smul.u32 $0x4F000, s3  }
0x8: {  	s5 =	sadd.s32 $0x16000, s6;
	s29 =	sshll.u32 s3, $0x6;
	s30 =	smul.u32 $0x4F0, s3  }
0x9: {  	s16 =	smul.u32 $0x2780, s3;
	s26 =	sshrl.u32 s9, $0x1;
	s10 =	sadd.s32 s7, s6  }
0xa: {  	s8 =	sadd.s32 s8, s6;
	s7 =	ssub.s32 s9, s26;
	s28 =	sshrl.u32 s11, $0x2  }
0xb: {  	s6 =	sor.u32 $0x1C02, s29;
	s11 =	simm.s32 $0x2;
	s12 =	sadd.s32 s28, s1  }
0xc: {  	s15 =	sadd.s32 $0x3FA00, s8;
	s7 =	smax.u32 s7, $0x1;
	s31 =	sadd.s32 s30, s10  }
0xd: {  	s8 =	sadd.s32 $0xC200, s31;
	s9 =	sadd.s32 $0x2400, s31;
	s10 =	sshrl.u32 s12, $0x3  }
0xe: {  	s12 =	simm.s32 $0x80;
	s15 =	sadd.s32 s16, s15;
	s16 =	simm.s32 $0x0  }
.LBB2_1:
0xf: {  	[spmem:s10], [sflag:s6] =	dma.local [hbm:s5], $0x2780  }
0x10: {  	_ =	swait.ge [sflag:s11], $0x2780  }
0x11: {  	[sflag:s11] =	ssyncset.done $0x0  }
0x12: {  	[sflag:s11] =	ssyncadd.s32 $0xFFFFD880  }
0x13: {  	s17 =	sadd.s32 $0x0, s9;
	[bflag:$0x0] =	sbarrier.arrive $0xFFFF  }
0x14: {  	[tilespmem:s2], [sflag:$0x2] =	stream.linear.gather [hbm4b:s17+s2], $0x80, $0x38;
	[tilespmem:$0x17D00] =	vst v63  }
0x15: {  	_ =	swait.ge [sflag:s11], $0x80  }
0x16: {  	[sflag:s11] =	ssyncset.done $0x0  }
0x17: {  	s31 =	sadd.s32 $0x0, s8;
	[sflag:s11] =	ssyncadd.s32 $0xFFFFFF80  }
0x18: {  	[tilespmem:s12], [sflag:$0x2] =	stream.linear.gather [hbm4b:s31+s2], $0x80, $0x38;
	[tilespmem:$0x17D00] =	vst v63  }
0x19: {  	_ =	swait.ge [sflag:s11], $0x80  }
0x1a: {  	[sflag:s11] =	ssyncset.done $0x0  }
0x1b: {  	[sflag:s11] =	ssyncadd.s32 $0xFFFFFF80  }
0x1c: {  	[tilespmem:s13], [sflag:$0x1] =	stream.indirect.gather [hbm4b:s4+s12], $0x80, s2, s12, $0xb8;
	[tilespmem:$0x17D00] =	vst v63  }
0x1d: {  	_ =	swait.ge [sflag:s14], $0x4000  }
0x1e: {  	[sflag:s14] =	ssyncset.done $0x0  }
0x1f: {  	[sflag:s14] =	ssyncadd.s32 $0xFFFFC000  }
0x20: {  	[spmem:s1] =	stream.indirect.scatter.add.f32 [tilespmem:s13], [sflag:$0x2], $0x80, s12, s12, $0xb8;
	[tilespmem:$0x17D00] =	vst v63  }
0x21: {  	_ =	swait.ge [sflag:s11], $0x4000  }
0x22: {  	s18 =	simm.s32 $0x20;
	s17 =	simm.s32 $0x10;
	[sflag:s11] =	ssyncset.done $0x0  }
.LBB2_2:
0x23: {  	s19 =	sadd.s32 s17, s9  }
0x24: {  	[sflag:s11] =	ssyncadd.s32 $0xFFFFC000;
	s20 =	smov.u32 s18;
	s21 =	sadd.s32 $0x10, s18  }
0x25: {  	[tilespmem:s2], [sflag:$0x2] =	stream.linear.gather [hbm4b:s19+s2], $0x80, $0x38;
	[tilespmem:$0x17D00] =	vst v63  }
0x26: {  	p0 =	sne.s32 s18, $0x4E0;
	_ =	swait.ge [sflag:s11], $0x80  }
0x27: {  	[sflag:s11] =	ssyncset.done $0x0  }
0x28: {  	s18 =	sadd.s32 s17, s8;
	s17 =	smov.u32 s20;
	[sflag:s11] =	ssyncadd.s32 $0xFFFFFF80  }
0x29: {  	[tilespmem:s12], [sflag:$0x2] =	stream.linear.gather [hbm4b:s18+s2], $0x80, $0x38;
	[tilespmem:$0x17D00] =	vst v63  }
0x2a: {  	_ =	swait.ge [sflag:s11], $0x80  }
0x2b: {  	[sflag:s11] =	ssyncset.done $0x0  }
0x2c: {  	[sflag:s11] =	ssyncadd.s32 $0xFFFFFF80  }
0x2d: {  	[tilespmem:s13], [sflag:$0x1] =	stream.indirect.gather [hbm4b:s4+s12], $0x80, s2, s12, $0xb8;
	[tilespmem:$0x17D00] =	vst v63  }
0x2e: {  	_ =	swait.ge [sflag:s14], $0x4000  }
.Ltmp0:
0x2f: {  	[sflag:s14] =	ssyncset.done $0x0;
	(pc) =	sbr.rel @p0 .LBB2_2-.Ltmp0, $4  }
0x30: {  	[sflag:s14] =	ssyncadd.s32 $0xFFFFC000  }
0x31: {  	[spmem:s1] =	stream.indirect.scatter.add.f32 [tilespmem:s13], [sflag:$0x2], $0x80, s12, s12, $0xb8;
	[tilespmem:$0x17D00] =	vst v63  }
0x32: {  	_ =	swait.ge [sflag:s11], $0x4000  }
0x33: {  	s18 =	smov.u32 s21;
	[sflag:s11] =	ssyncset.done $0x0  }
0x34: {  	s18 =	sadd.s32 s17, s9;
	[sflag:s11] =	ssyncadd.s32 $0xFFFFC000  }
0x35: {  	[tilespmem:s2], [sflag:$0x2] =	stream.linear.gather [hbm4b:s18+s2], $0x80, $0x38;
	[tilespmem:$0x17D00] =	vst v63  }
0x36: {  	_ =	swait.ge [sflag:s11], $0x80  }
0x37: {  	[sflag:s11] =	ssyncset.done $0x0  }
0x38: {  	s31 =	sadd.s32 s17, s8;
	[sflag:s11] =	ssyncadd.s32 $0xFFFFFF80  }
0x39: {  	[tilespmem:s12], [sflag:$0x2] =	stream.linear.gather [hbm4b:s31+s2], $0x80, $0x38;
	[tilespmem:$0x17D00] =	vst v63  }
0x3a: {  	_ =	swait.ge [sflag:s11], $0x80  }
0x3b: {  	[sflag:s11] =	ssyncset.done $0x0  }
0x3c: {  	[sflag:s11] =	ssyncadd.s32 $0xFFFFFF80  }
0x3d: {  	[tilespmem:s13], [sflag:$0x1] =	stream.indirect.gather [hbm4b:s4+s12], $0x80, s2, s12, $0xb8;
	[tilespmem:$0x17D00] =	vst v63  }
0x3e: {  	_ =	swait.ge [sflag:s14], $0x4000  }
0x3f: {  	[sflag:s14] =	ssyncset.done $0x0  }
0x40: {  	[sflag:s14] =	ssyncadd.s32 $0xFFFFC000  }
0x41: {  	[spmem:s1] =	stream.indirect.scatter.add.f32 [tilespmem:s13], [sflag:$0x2], $0x80, s12, s12, $0xb8;
	[tilespmem:$0x17D00] =	vst v63  }
0x42: {  	_ =	swait.ge [sflag:s11], $0x4000  }
0x43: {  	s16 =	sadd.s32 $0x1, s16;
	[sflag:s11] =	ssyncset.done $0x0  }
0x44: {  	p0 =	sne.s32 s16, s7;
	[sflag:s11] =	ssyncadd.s32 $0xFFFFC000  }
.Ltmp1:
0x45: {  	[bflag:$0x0] =	sbarrier.arrive $0xFFFF;
	(pc) =	sbr.rel @p0 .LBB2_1-.Ltmp1, $4  }
0x46: {  	[hbm:s15], [sflag:s6] =	dma.local [spmem:s10], $0x2780  }
0x47: {  	_ =	swait.ge [sflag:s11], $0x2780  }
0x48: {  	[sflag:s11] =	ssyncset.done $0x0  }
0x49: {  	[sflag:s11] =	ssyncadd.s32 $0xFFFFD880  }
0x4a: {  	_ =	sfence.sel $0x180000  }
0x4b: {  	[bflag:$0x0] =	sbarrier.arrive $0xFFFF  }
0x4c: {  	p0 =	sne.s32 s3, $0x0;
	_ =	strace $0x9000004A  }
0x4d: {  	s0 =	sadd.s32 @!p0 $0x100000, s0;
	[bflag:$0x2] =	sbarrier.arrive $0xFFFF  }
0x4e: {  	[sflag:s0] =	ssyncadd.tile.s32 @!p0 $0x1;
	_ =	shalt  }
.Lfunc_end2:
_tile_overlayer_lowered:
.L_overlay_start_2:
0x4f: {  	(tag) =	ssettag $0x2  }
0x50: {  	s0 =	rddreg [dreg:$0x0];
	s2 =	stileid.u32  }
0x51: {  	s1 =	rddreg [dreg:$0x1];
	p0 =	sne.s32 s2, $0x0  }
0x52: {  	s3 =	rddreg [dreg:$0x2];
	[bflag:$0x3] =	sbarrier.arrive $0xFFFF;
	s2 =	simm.s32 @!p0 $0x1C02  }
0x53: {  	[timem:s3], [sflag:s2] =	dma.local @!p0 [hbm:s0], s1  }
0x54: {  	s0 =	simm.s32 @!p0 $0x2  }
0x55: {  	_ =	swait.ge @!p0 [sflag:s0], s1  }
0x56: {  	s1 =	ssub.s32 @!p0 $0x0, s1;
	[sflag:s0] =	ssyncset.done @!p0 $0x0  }
0x57: {  	[sflag:s0] =	ssyncadd.s32 @!p0 s1  }
0x58: {  	[bflag:$0x3] =	sbarrier.arrive $0xFFFF  }
0x59: {  	_ =	shalt  }

// kernel: kernel.9.cloned.1.call-start
scs
__scs_entry_jumppad:
0x0: {  	(pc) =	sbr.rel $0x88, $3  }
0x1: {  	(tag) =	ssettag $0x0;
	lr =	simm.s32 $0x1  }
0x2: {  	[smem:$0x3F97] =	sst lr;
	_ =	strace $0xD0000000  }
0x3: {  	_ = 	snop  }
0x4: {  	_ = 	snop  }
0x5: {  	_ = 	snop  }
0x6: {  	_ = 	snop  }
0x7: {  	_ = 	snop  }
__scs_overlays_trampoline_lowered:
0x8: {  	[smem:$0x3FA6] =	sst s0  }
0x9: {  	[smem:$0x3FA7] =	sst s1  }
0xa: {  	[smem:$0x3FA8] =	sst s2  }
0xb: {  	[smem:$0x3FA9] =	sst s3  }
0xc: {  	[smem:$0x3FAA] =	sst s4  }
0xd: {  	[smem:$0x3FAB] =	sst s5  }
0xe: {  	[smem:$0x3FAC] =	sst s6  }
0xf: {  	[smem:$0x3FAD] =	sst s7  }
0x10: {  	[smem:$0x3FAE] =	sst s8  }
0x11: {  	[smem:$0x3FAF] =	sst s9;
	s0 =	simm.s32 @!p0 $0x0  }
0x12: {  	s1 =	sld [smem:$0x3F95];
	s0 =	simm.s32 @p0 $0x1  }
0x13: {  	[smem:$0x3FB0] =	sst s0;
	s0 =	simm.s32 @!p1 $0x0  }
0x14: {  	s2 =	sld [smem:$0x3F94];
	s0 =	simm.s32 @p1 $0x1  }
0x15: {  	[smem:$0x3FB1] =	sst s0;
	s0 =	simm.s32 @!p2 $0x0  }
0x16: {  	s3 =	sld [smem:$0x3FDB];
	s0 =	simm.s32 @p2 $0x1  }
0x17: {  	s4 =	simm.s32 $0x1BF5;
	[smem:$0x3FB3] =	sst s0  }
0x18: {  	s0 =	sld [smem:$0x3F96];
	_ =	swait.ge [sflag:s4], $0x0  }
0x19: {  	s7 =	sld [smem:$0x3F97]  }
0x1a: {  	s8 =	sadd.s32 $0xFFFFE003, lr  }
0x1b: {  	s9 =	sadd.s32 $0xFFFFFEF7, lr;
	s5 =	simm.s32 $0xFFFFFFFF;
	p2 =	slt.u32 s8, $0xFFFFF086  }
0x1c: {  	p1 =	slt.u32 s9, $0xF7A;
	s5 =	simm.s32 @!p2 $0x0  }
0x1d: {  	s5 =	simm.s32 @p1 $0x1;
	p0 =	seq.s32 s7, s2  }
0x1e: {  	s7 =	smul.u32 @!p0 $0xF7A, s2;
	p2 =	seq.s32 @!p0 s5, $0x0  }
0x1f: {  	s9 =	smul.u32 $0xF7A, s1;
	s8 =	simm.s32 @!p0 $0x1BF5;
	p2 =	por !p2, p0  }
0x20: {  	[sflag:s8] =	ssyncset.s32 @!p0 $0xFFFFF086;
	s6 =	sadd.s32 @!p0 s3, s7;
	s7 =	simm.s32 @!p0 $0x108  }
0x21: {  	s3 =	sadd.s32 s3, s9;
	s6 =	sadd.s32 @!p0 $0x88, s6;
	s7 =	simm.s32 @p2 $0x1082  }
0x22: {  	[simem:s7], [sflag:s8] =	dma.local @!p0 [hbm:s6], $0xF7A  }
0x23: {  	s9 =	sor.u32 $0xD0000000, s2;
	s6 =	simm.s32 $0x108;
	_ =	swait.ge @!p0 [sflag:s8], $0x0  }
0x24: {  	s3 =	sadd.s32 $0x88, s3;
	s6 =	simm.s32 @!p1 $0x1082;
	[sflag:s4] =	ssyncset.s32 $0xFFFFF086  }
0x25: {  	[simem:s6], [sflag:s4] =	dma.local [hbm:s3], $0xF7A  }
0x26: {  	[smem:$0x3F97] =	sst s1;
	(tag) =	ssettag s2;
	_ =	strace s9  }
0x27: {  	s1 =	sld [smem:$0x3FA7]  }
0x28: {  	s2 =	sld [smem:$0x3FA8]  }
0x29: {  	s4 =	sld [smem:$0x3FAA]  }
0x2a: {  	p0 =	seq.s32 s5, $0x0;
	s5 =	sld [smem:$0x3FAB]  }
0x2b: {  	s6 =	sld [smem:$0x3FAC]  }
0x2c: {  	s7 =	sld [smem:$0x3FAD]  }
0x2d: {  	s3 =	simm.s32 $0x108;
	s8 =	sld [smem:$0x3FAE]  }
0x2e: {  	s3 =	simm.s32 @!p0 $0x1082;
	s9 =	sld [smem:$0x3FAF]  }
0x2f: {  	lr =	sadd.s32 s0, s3;
	s0 =	sld [smem:$0x3FA6]  }
0x30: {  	s3 =	sld [smem:$0x3FA9]  }
0x31: {  	[smem:$0x3FB2] =	sst s10  }
0x32: {  	s10 =	sld [smem:$0x3FB0];
	_ =	sdelay $0x3  }
0x33: {  	p0 =	seq.s32 s10, $0x1;
	s10 =	sld [smem:$0x3FB2];
	_ =	sdelay $0x3  }
0x34: {  	[smem:$0x3FB2] =	sst s10  }
0x35: {  	s10 =	sld [smem:$0x3FB1];
	_ =	sdelay $0x3  }
0x36: {  	p1 =	seq.s32 s10, $0x1;
	s10 =	sld [smem:$0x3FB2];
	_ =	sdelay $0x3  }
0x37: {  	[smem:$0x3FB2] =	sst s10  }
0x38: {  	s10 =	sld [smem:$0x3FB3]  }
0x39: {  	_ = 	snop;
	(pc) =	sbr.ind lr, $3  }
0x3a: {  	_ = 	snop  }
0x3b: {  	_ = 	snop  }
0x3c: {  	p2 =	seq.s32 s10, $0x1;
	s10 =	sld [smem:$0x3FB2]  }
0x3d: {  	_ =	shalt  }
0x3e: {  	_ =	shalt  }
0x3f: {  	_ =	shalt  }
0x40: {  	_ =	shalt  }
0x41: {  	_ =	shalt  }
0x42: {  	_ =	shalt  }
0x43: {  	_ =	shalt  }
0x44: {  	_ =	shalt  }
0x45: {  	_ =	shalt  }
0x46: {  	_ =	shalt  }
0x47: {  	_ =	shalt  }
0x48: {  	_ =	shalt  }
0x49: {  	_ =	shalt  }
0x4a: {  	_ =	shalt  }
0x4b: {  	_ =	shalt  }
0x4c: {  	_ =	shalt  }
0x4d: {  	_ =	shalt  }
0x4e: {  	_ =	shalt  }
0x4f: {  	_ =	shalt  }
0x50: {  	_ =	shalt  }
0x51: {  	_ =	shalt  }
0x52: {  	_ =	shalt  }
0x53: {  	_ =	shalt  }
0x54: {  	_ =	shalt  }
0x55: {  	_ =	shalt  }
0x56: {  	_ =	shalt  }
0x57: {  	_ =	shalt  }
0x58: {  	_ =	shalt  }
0x59: {  	_ =	shalt  }
0x5a: {  	_ =	shalt  }
0x5b: {  	_ =	shalt  }
0x5c: {  	_ =	shalt  }
0x5d: {  	_ =	shalt  }
0x5e: {  	_ =	shalt  }
0x5f: {  	_ =	shalt  }
0x60: {  	_ =	shalt  }
0x61: {  	_ =	shalt  }
0x62: {  	_ =	shalt  }
0x63: {  	_ =	shalt  }
0x64: {  	_ =	shalt  }
0x65: {  	_ =	shalt  }
0x66: {  	_ =	shalt  }
0x67: {  	_ =	shalt  }
0x68: {  	_ =	shalt  }
0x69: {  	_ =	shalt  }
0x6a: {  	_ =	shalt  }
0x6b: {  	_ =	shalt  }
0x6c: {  	_ =	shalt  }
0x6d: {  	_ =	shalt  }
0x6e: {  	_ =	shalt  }
0x6f: {  	_ =	shalt  }
0x70: {  	_ =	shalt  }
0x71: {  	_ =	shalt  }
0x72: {  	_ =	shalt  }
0x73: {  	_ =	shalt  }
0x74: {  	_ =	shalt  }
0x75: {  	_ =	shalt  }
0x76: {  	_ =	shalt  }
0x77: {  	_ =	shalt  }
0x78: {  	_ =	shalt  }
0x79: {  	_ =	shalt  }
0x7a: {  	_ =	shalt  }
0x7b: {  	_ =	shalt  }
0x7c: {  	_ =	shalt  }
0x7d: {  	_ =	shalt  }
0x7e: {  	_ =	shalt  }
0x7f: {  	_ =	shalt  }
0x80: {  	_ =	shalt  }
0x81: {  	_ =	shalt  }
0x82: {  	_ =	shalt  }
0x83: {  	_ =	shalt  }
0x84: {  	_ =	shalt  }
0x85: {  	_ =	shalt  }
0x86: {  	_ =	shalt  }
0x87: {  	_ =	shalt  }
.Lfunc_end0:
.L_simem_size_0:
called_computation_lowered:
.L_overlay_start_0:
0x88: {  	s2 =	sld [smem:$0x3FD9]  }
0x89: {  	s3 =	sld [smem:$0x3FFE];
	_ =	sdelay $0x1  }
0x8a: {  	s1 =	srdreg.scid  }
0x8b: {  	s0 =	sand.u32 $0x1, s1  }
0x8c: {  	s17 =	sshll.u32 s0, $0xA;
	s2 =	sadd.s32 s3, s2  }
0x8d: {  	s2 =	sadd.s32 s2, s17  }
0x8e: {  	[smem:$0x3FBE] =	sst s2  }
0x8f: {  	_ = 	snop  }
0x90: {  	s2 =	sld [smem:$0x3FC9];
	(tm) =	ssettm $0x1  }
0x91: {  	s18 =	sld [smem:$0x3FFB];
	_ =	sdelay $0x3  }
0x92: {  	_ =	strace s18  }
0x93: {  	s3 =	sld [smem:$0x3FFC];
	_ =	sdelay $0x3  }
0x94: {  	_ =	strace s3  }
0x95: {  	s3 =	sld [smem:$0x3FFD];
	_ =	sdelay $0x3  }
0x96: {  	_ =	strace s3  }
0x97: {  	_ =	strace $0x8FFFFFFF  }
0x98: {  	s19 =	sld [smem:$0x3FDB];
	_ =	sdelay $0x1  }
0x99: {  	s4 =	simm.s32 $_scs_section_size  }
0x9a: {  	s5 =	simm.s32 $_size__tile_overlayer_lowered;
	s6 =	simm.s32 $_tile_overlayer_lowered  }
0x9b: {  	s22 =	simm.s32 $0x1BFF;
	s21 =	sshll.u32 s6, $0x1;
	s3 =	sadd.s32 s4, s19  }
0x9c: {  	s7 =	simm.s32 $0x0;
	s20 =	sshll.u32 s5, $0x1;
	s5 =	sadd.s32 s21, s3  }
0x9d: {  	[timem:s7], [sflag:s22] =	dma.local [hbm:s5], s20  }
0x9e: {  	_ =	swait.ge [sflag:s22], s20  }
0x9f: {  	s4 =	ssub.s32 $0x0, s20;
	[sflag:s22] =	ssyncset.done $0x0  }
0xa0: {  	[sflag:s22] =	ssyncadd.s32 s4;
	_ =	sdelay $0x1  }
0xa1: {  	s23 =	simm.s32 $0x1B8B  }
0xa2: {  	_ =	swait.ge [sflag:s23], $0x1  }
0xa3: {  	[sflag:s23] =	ssyncset.done $0x0  }
0xa4: {  	s25 =	simm.s32 $0x1B8E;
	s24 =	sld [smem:$0x3FFE];
	[sflag:s23] =	ssyncadd.s32 $0xFFFFFFFF  }
0xa5: {  	s26 =	simm.s32 $execute0_lowered;
	[smem:$0x3FD2] =	sst s25  }
0xa6: {  	s5 =	sshll.u32 s26, $0x1;
	_ =	strace $0x80000046;
	[dreg:$0x1] =	wrdreg $0xFFFFFFFF  }
0xa7: {  	s28 =	simm.s32 $_size_execute0_lowered;
	s3 =	sadd.s32 s3, s5;
	[dreg:$0x0] =	wrdreg $0x0  }
0xa8: {  	s5 =	sshll.u32 s28, $0x1;
	[dreg:$0x2] =	wrdreg s3  }
0xa9: {  	[dreg:$0x3] =	wrdreg s5  }
0xaa: {  	[dreg:$0x4] =	wrdreg $0xC0  }
0xab: {  	_ =	task [dreg:s7], $0x5FFFF  }
0xac: {  	[dreg:$0x1] =	wrdreg $0xFFFFFFFF  }
0xad: {  	[dreg:$0x0] =	wrdreg $0x60  }
0xae: {  	[dreg:$0x2] =	wrdreg s2  }
0xaf: {  	[dreg:$0x3] =	wrdreg s24  }
0xb0: {  	[dreg:$0x4] =	wrdreg $0x41000  }
0xb1: {  	[dreg:$0x5] =	wrdreg $0x9  }
0xb2: {  	_ =	task.clear_ibuf [dreg:s7], $0x6FFFF;
	_ =	strace $0x90000046  }
0xb3: {  	s29 =	simm.s32 $0x9;
	_ =	strace $0x80000048  }
0xb4: {  	_ =	swait.ge [sflag:s29], $0x1  }
0xb5: {  	[sflag:s29] =	ssyncadd.s32 $0xFFFFFFFF  }
0xb6: {  	_ =	strace $0x90000048  }
0xb7: {  	_ =	sfence  }
0xb8: {  	s30 =	sld [smem:$0x0];
	_ =	sdelay $0x2  }
0xb9: {  	s31 =	sshll.u32 s1, $0xD;
	s1 =	sshrl.u32 s1, $0x2  }
0xba: {  	s3 =	sand.u32 $0x4000, s31;
	s1 =	sadd.s32 s1, s30  }
0xbb: {  	s0 =	sor.u32 s3, s0;
	s1 =	sshll.u32 s1, $0x11  }
0xbc: {  	s0 =	sor.u32 s1, s0  }
0xbd: {  	s0 =	sadd.s32 $0x8F2B, s0  }
0xbe: {  	[sflag:s0] =	ssyncadd.remote.s32 $0x1  }
0xbf: {  	_ =	sfence.sel $0xFFFF  }
0xc0: {  	[dreg:$0x0] =	wrdreg $0xFFFFFFFF;
	(pc) =	sbr.abs _section_cstart, $3  }
0xc1: {  	[dreg:$0x1] =	wrdreg $0xFFFFFFFF  }
0xc2: {  	_ =	task.clear_ibuf [dreg:s7], $0x2FFFF;
	_ =	strace $0x9FFFFFFF  }
0xc3: {  	(tm) =	ssettm $0x7FFFFFFF  }
tec
execute0_lowered:
.L_overlay_start_1:
0x0: {  	(tag) =	ssettag $0x1  }
0x1: {  	s1 =	rddreg [dreg:$0x0]  }
0x2: {  	s6 =	rddreg [dreg:$0x1]  }
0x3: {  	s0 =	srdreg.scid;
	s3 =	rddreg [dreg:$0x2]  }
0x4: {  	s2 =	rddreg [dreg:$0x3];
	s4 =	simm.s32 $0x0;
	s14 =	simm.s32 $0x100  }
0x5: {  	s15 =	simm.s32 $0x1;
	s7 =	sand.u32 $0x1, s0;
	s0 =	stileid.u32  }
0x6: {  	s16 =	simm.s32 $0x17D00;
	[smem:$0x7FF] =	sst s4;
	s8 =	smul.u32 $0x27800, s7  }
0x7: {  	s17 =	smul.u32 $0x2780, s0;
	s5 =	sshll.u32 s7, $0x4;
	_ =	strace $0x80000047  }
0x8: {  	s7 =	ssub.s32 $0x2, s7;
	s28 =	smul.u32 $0x4F000, s0;
	s31 =	sshll.u32 s0, $0x6  }
0x9: {  	s5 =	sor.u32 s0, s5;
	s29 =	sshrl.u32 s7, $0x1;
	s9 =	sadd.s32 s17, s8  }
0xa: {  	s10 =	smul.u32 $0x2780, s5;
	s5 =	sadd.s32 $0x16000, s6;
	s8 =	sadd.s32 s8, s6  }
0xb: {  	s12 =	ssub.s32 s7, s29;
	s30 =	sshrl.u32 s28, $0x2;
	s9 =	sshrl.u32 s9, $0x3  }
0xc: {  	s13 =	sadd.s32 s30, s3;
	s18 =	sadd.s32 $0x22600, s8;
	s8 =	smax.u32 s12, $0x1  }
0xd: {  	s12 =	simm.s32 $0x2;
	s11 =	sadd.s32 s9, s6;
	s26 =	sshrl.u32 s10, $0x3  }
0xe: {  	s17 =	sadd.s32 s17, s18;
	s18 =	simm.s32 $0x0;
	s9 =	sadd.s32 s26, s6  }
0xf: {  	s6 =	sor.u32 $0x1C02, s31;
	s10 =	sadd.s32 $0x2400, s11;
	s7 =	sadd.s32 $0x18800, s9  }
0x10: {  	v0 =	vimm.f32 $0.0e+00;
	v1 =	vimm.f32 $1.000000000e+00;
	s9 =	sadd.s32 $0xC200, s11;
	s11 =	sshrl.u32 s13, $0x3;
	s13 =	simm.s32 $0x80  }
.LBB2_1:
0x11: {  	[spmem:s11], [sflag:s6] =	dma.local [hbm:s5], $0x2780  }
0x12: {  	_ =	swait.ge [sflag:s12], $0x2780  }
0x13: {  	[sflag:s12] =	ssyncset.done $0x0  }
0x14: {  	s19 =	simm.s32 $0x40;
	s20 =	simm.s32 $0x0;
	[sflag:s12] =	ssyncadd.s32 $0xFFFFD880  }
.LBB2_2:
0x15: {  	p0 =	sne.s32 s19, $0x9DC0;
	[tilespmem:s20+$0x17D00] =	vst v0;
	s20 =	smov.u32 s19;
	s19 =	sadd.s32 $0x40, s19  }
.Ltmp0:
0x16: {  	(pc) =	sbr.rel @p0 .LBB2_2-.Ltmp0, $2  }
0x17: {  	_ =	sdelay $0x2  }
0x18: {  	s20 =	sshra.s32 s20, $0x2  }
0x19: {  	[tilespmem:s20+$0x17D00] =	vst v0  }
0x1a: {  	s19 =	simm.s32 $0x0;
	[bflag:$0x0] =	sbarrier.arrive $0xFFFF  }
.LBB2_4:
0x1b: {  	s20 =	sadd.s32 s19, s10  }
0x1c: {  	[tilespmem:s4], [sflag:$0x2] =	stream.linear.gather [hbm4b:s20+s4], $0x80, $0x38;
	[tilespmem:$0x1A480] =	vst v63  }
0x1d: {  	_ =	swait.ge [sflag:s12], $0x80  }
0x1e: {  	[sflag:s12] =	ssyncset.done $0x0  }
0x1f: {  	s31 =	sadd.s32 s19, s9;
	[sflag:s12] =	ssyncadd.s32 $0xFFFFFF80  }
0x20: {  	[tilespmem:s13], [sflag:$0x2] =	stream.linear.gather [hbm4b:s31+s4], $0x80, $0x38;
	[tilespmem:$0x1A480] =	vst v63  }
0x21: {  	_ =	swait.ge [sflag:s12], $0x80  }
0x22: {  	[sflag:s12] =	ssyncset.done $0x0  }
0x23: {  	[sflag:s12] =	ssyncadd.s32 $0xFFFFFF80  }
0x24: {  	[tilespmem:s14], [sflag:$0x1] =	stream.indirect.gather [hbm4b:s1+s13], $0x80, s4, s13, $0xb8;
	[tilespmem:$0x1A480] =	vst v63  }
0x25: {  	_ =	swait.ge [sflag:s15], $0x4000  }
0x26: {  	[sflag:s15] =	ssyncset.done $0x0  }
0x27: {  	[sflag:s15] =	ssyncadd.s32 $0xFFFFC000  }
0x28: {  	[spmem:s3] =	stream.indirect.scatter.add.f32 [tilespmem:s14], [sflag:$0x2], $0x80, s13, s13, $0xb8;
	[tilespmem:$0x1A480] =	vst v63  }
0x29: {  	_ =	swait.ge [sflag:s12], $0x4000  }
0x2a: {  	[sflag:s12] =	ssyncset.done $0x0  }
0x2b: {  	[sflag:s12] =	ssyncadd.s32 $0xFFFFC000  }
0x2c: {  	v2 =	vld [tilespmem:$0x80];
	_ =	sdelay $0x7  }
0x2d: {  	[tilespmem:v2+s16+$0x0] =	vst.idx.add.f32.msk $0xffff, v1  }
0x2e: {  	v2 =	vld [tilespmem:$0x90];
	_ =	sdelay $0x7  }
0x2f: {  	[tilespmem:v2+s16+$0x0] =	vst.idx.add.f32.msk $0xffff, v1  }
0x30: {  	v2 =	vld [tilespmem:$0xA0];
	_ =	sdelay $0x7  }
0x31: {  	[tilespmem:v2+s16+$0x0] =	vst.idx.add.f32.msk $0xffff, v1  }
0x32: {  	v2 =	vld [tilespmem:$0xB0];
	_ =	sdelay $0x7  }
0x33: {  	[tilespmem:v2+s16+$0x0] =	vst.idx.add.f32.msk $0xffff, v1  }
0x34: {  	v2 =	vld [tilespmem:$0xC0];
	_ =	sdelay $0x7  }
0x35: {  	[tilespmem:v2+s16+$0x0] =	vst.idx.add.f32.msk $0xffff, v1  }
0x36: {  	v2 =	vld [tilespmem:$0xD0];
	_ =	sdelay $0x7  }
0x37: {  	[tilespmem:v2+s16+$0x0] =	vst.idx.add.f32.msk $0xffff, v1  }
0x38: {  	v2 =	vld [tilespmem:$0xE0];
	_ =	sdelay $0x7  }
0x39: {  	[tilespmem:v2+s16+$0x0] =	vst.idx.add.f32.msk $0xffff, v1  }
0x3a: {  	v2 =	vld [tilespmem:$0xF0];
	_ =	sdelay $0x2  }
0x3b: {  	p0 =	sne.s32 s19, $0x4E0  }
.Ltmp1:
0x3c: {  	_ = 	snop;
	(pc) =	sbr.rel @p0 .LBB2_4-.Ltmp1, $2  }
0x3d: {  	_ =	sdelay $0x2  }
0x3e: {  	s19 =	sadd.s32 $0x10, s19;
	[tilespmem:v2+s16+$0x0] =	vst.idx.add.f32.msk $0xffff, v1  }
0x3f: {  	[bflag:$0x0] =	sbarrier.arrive $0xFFFF  }
0x40: {  	[hbm:s17], [sflag:s6] =	dma.local [spmem:s11], $0x2780  }
0x41: {  	s18 =	sadd.s32 $0x1, s18;
	_ =	swait.ge [sflag:s12], $0x2780  }
0x42: {  	p0 =	sne.s32 s18, s8;
	[sflag:s12] =	ssyncset.done $0x0  }
.Ltmp2:
0x43: {  	[sflag:s12] =	ssyncadd.s32 $0xFFFFD880;
	(pc) =	sbr.rel @p0 .LBB2_1-.Ltmp2, $4  }
0x44: {  	[hbm4b:s7+s4] =	stream.linear.scatter [tilespmem:s16], [sflag:$0x2], $0x2780, $0x38;
	[tilespmem:$0x1A480] =	vst v63  }
0x45: {  	_ =	swait.ge [sflag:s12], $0x2780  }
0x46: {  	[sflag:s12] =	ssyncset.done $0x0  }
0x47: {  	[sflag:s12] =	ssyncadd.s32 $0xFFFFD880  }
0x48: {  	_ =	sfence.sel $0x180000  }
0x49: {  	[bflag:$0x0] =	sbarrier.arrive $0xFFFF  }
0x4a: {  	p0 =	sne.s32 s0, $0x0;
	_ =	strace $0x90000047  }
0x4b: {  	s0 =	sadd.s32 @!p0 $0x100000, s2;
	[bflag:$0x2] =	sbarrier.arrive $0xFFFF  }
0x4c: {  	[sflag:s0] =	ssyncadd.tile.s32 @!p0 $0x1;
	_ =	shalt  }
.Lfunc_end2:
_tile_overlayer_lowered:
.L_overlay_start_2:
0x4d: {  	(tag) =	ssettag $0x2  }
0x4e: {  	s0 =	rddreg [dreg:$0x0];
	s2 =	stileid.u32  }
0x4f: {  	s1 =	rddreg [dreg:$0x1];
	p0 =	sne.s32 s2, $0x0  }
0x50: {  	s3 =	rddreg [dreg:$0x2];
	[bflag:$0x3] =	sbarrier.arrive $0xFFFF;
	s2 =	simm.s32 @!p0 $0x1C02  }
0x51: {  	[timem:s3], [sflag:s2] =	dma.local @!p0 [hbm:s0], s1  }
0x52: {  	s0 =	simm.s32 @!p0 $0x2  }
0x53: {  	_ =	swait.ge @!p0 [sflag:s0], s1  }
0x54: {  	s1 =	ssub.s32 @!p0 $0x0, s1;
	[sflag:s0] =	ssyncset.done @!p0 $0x0  }
0x55: {  	[sflag:s0] =	ssyncadd.s32 @!p0 s1  }
0x56: {  	[bflag:$0x3] =	sbarrier.arrive $0xFFFF  }
0x57: {  	_ =	shalt  }

</sc_bundles>
